<compile_context>
chip_gen: v7x
topology: tpu7x:2x2x1
jax: 0.10.2.dev20260603
libtpu: 0.0.44.dev20260713+nightly
codegen_flags: <defaults>
</compile_context>

<pallas_src>
import jax
import jax.numpy as jnp
from jax import lax
from jax.experimental import pallas as pl
from jax.experimental.pallas import tpu as pltpu
from jax.experimental.pallas import tpu_sc as plsc

_LANES = 16
_NCORES = 2
_NSUB = 16
_TABLE_PAD = 1 << 20
_CHUNK = 64


def _history_body(x_hbm, nid_hbm, out_hbm,
                  nid_v, pos_v, win_v, rows_v, pos_sp,
                  sem_w0, sem_w1, sem_r0, sem_r1, sem_s0, sem_s1):
    batch = nid_v.shape[0]
    cid = lax.axis_index("c")
    sid = lax.axis_index("s")
    wid = sid * _NCORES + cid

    pltpu.sync_copy(nid_hbm, nid_v)

    half_sz = _TABLE_PAD // (_NSUB * 2)
    lane = lax.iota(jnp.int32, _LANES)

    for h in range(2):
        base = sid * (2 * half_sz) + h * half_sz

        def scan_quad(k4, carry, base=base):
            for dk in range(4):
                k = k4 * 4 + dk
                idxv = nid_v[pl.ds(k * _LANES, _LANES)]
                jv = k * _LANES + lane
                _, last = plsc.scan_count(idxv)
                local = idxv - base
                inr = local.astype(jnp.uint32) < jnp.uint32(half_sz)
                m = last & inr
                plsc.store_scatter(pos_v, [local], jv, mask=m)
            return carry

        lax.fori_loop(0, batch // (4 * _LANES), scan_quad, 0)
        pltpu.sync_copy(pos_v, pos_sp.at[pl.ds(base, half_sz)])

    plsc.subcore_barrier()

    rows_per_w = batch // (_NCORES * _NSUB)
    nt = rows_per_w // _CHUNK
    sem_w = (sem_w0, sem_w1)
    sem_r = (sem_r0, sem_r1)
    sem_s = (sem_s0, sem_s1)

    def start_win(t):
        i0 = wid * rows_per_w + t * _CHUNK
        idx_ref = nid_v.at[pl.ds(i0, _CHUNK)]
        return pltpu.async_copy(pos_sp.at[idx_ref], win_v.at[t % 2],
                                sem_w[t % 2])

    wdesc = {0: start_win(0)}
    sdesc = {}
    for t in range(nt):
        b = t % 2
        i0 = wid * rows_per_w + t * _CHUNK
        wdesc[t].wait()
        for u in range(_CHUNK // _LANES):
            wv = win_v[b, pl.ds(u * _LANES, _LANES)]
            win_v[b, pl.ds(u * _LANES, _LANES)] = jnp.clip(wv, 0, batch - 1)
        if t + 1 < nt:
            wdesc[t + 1] = start_win(t + 1)
        if t >= 2:
            sdesc[t - 2].wait()
        rdesc = pltpu.async_copy(x_hbm.at[win_v.at[b]], rows_v.at[b],
                                 sem_r[b])
        rdesc.wait()
        sdesc[t] = pltpu.async_copy(rows_v.at[b],
                                    out_hbm.at[pl.ds(i0, _CHUNK)], sem_s[b])
    for t in range(max(nt - 2, 0), nt):
        sdesc[t].wait()


def kernel(emb, x, n_id):
    batch, dim = x.shape
    call = pl.kernel(
        _history_body,
        out_type=jax.ShapeDtypeStruct((batch, dim), x.dtype),
        mesh=plsc.VectorSubcoreMesh(
            core_axis_name="c", subcore_axis_name="s",
            num_cores=_NCORES, num_subcores=_NSUB),
        scratch_types=[
            pltpu.VMEM((batch,), jnp.int32),
            pltpu.VMEM((_TABLE_PAD // (_NSUB * 2),), jnp.int32),
            pltpu.VMEM((2, _CHUNK), jnp.int32),
            pltpu.VMEM((2, _CHUNK, dim), jnp.float32),
            pltpu.VMEM_SHARED((_TABLE_PAD,), jnp.int32),
            pltpu.SemaphoreType.DMA,
            pltpu.SemaphoreType.DMA,
            pltpu.SemaphoreType.DMA,
            pltpu.SemaphoreType.DMA,
            pltpu.SemaphoreType.DMA,
            pltpu.SemaphoreType.DMA,
        ],
        compiler_params=pltpu.CompilerParams(
            needs_layout_passes=False, use_tc_tiling_on_sc=False),
    )
    del emb
    return call(x, n_id)

# --- scband reference (transcript-rebuilt; emitter-appended) ---
"""Pipeline reference for scband-history-32684701122918 (READ-ONLY COPY).

The authoritative reference and input builder live on the scoring server;
editing this copy changes nothing except your own understanding.
"""

import jax, jax.numpy as jnp
import numpy as np

NUM_EMBEDDINGS = 1000000
EMBEDDING_DIM = 64
BATCH = 16384


def setup_inputs(seed: int = 0) -> dict:
    key = jax.random.key(seed)
    k1, k2 = jax.random.split(key)
    # Historical embedding storage buffer, zero-initialized per reset_parameters().
    emb = jnp.zeros((NUM_EMBEDDINGS, EMBEDDING_DIM), dtype=jnp.float32)
    # New embeddings to push into the history.
    x = jax.random.normal(k1, (BATCH, EMBEDDING_DIM), dtype=jnp.float32)
    # Node ids selecting which rows to push/pull.
    n_id = jax.random.randint(k2, (BATCH,), 0, NUM_EMBEDDINGS, dtype=jnp.int32)
    return {"emb": emb, "x": x, "n_id": n_id}


def reference(emb, x, n_id):
    # push: self.emb[n_id] = x   (scatter-overwrite)
    new_emb = emb.at[n_id].set(x)
    # pull: out = self.emb.index_select(0, n_id)   (gather)
    pulled = jnp.take(new_emb, n_id, axis=0)
    return pulled

if __name__ == "__main__":
    import jax
    _d = setup_inputs()
    print(jax.jit(kernel)(*tuple(_d.values())))

</pallas_src>

<mosaic_0001>
#map = affine_map<(d0, d1) -> (0, 0)>
#map1 = affine_map<(d0, d1) -> (0)>
module attributes {stable_mosaic.version = 14 : i64} {
  func.func @_history_body(%arg0: i32, %arg1: i32, %arg2: memref<16384x64xf32, #tpu.memory_space<hbm>>, %arg3: memref<16384xi32, #tpu.memory_space<hbm>>, %arg4: memref<16384x64xf32, #tpu.memory_space<hbm>>, %arg5: memref<16384xi32, #tpu.memory_space<vmem>>, %arg6: memref<32768xi32, #tpu.memory_space<vmem>>, %arg7: memref<2x64xi32, #tpu.memory_space<vmem>>, %arg8: memref<2x64x64xf32, #tpu.memory_space<vmem>>, %arg9: memref<1048576xi32, #tpu.memory_space<vmem_shared>>, %arg10: memref<!tpu.dma_semaphore, #tpu.memory_space<semaphore_mem>>, %arg11: memref<!tpu.dma_semaphore, #tpu.memory_space<semaphore_mem>>, %arg12: memref<!tpu.dma_semaphore, #tpu.memory_space<semaphore_mem>>, %arg13: memref<!tpu.dma_semaphore, #tpu.memory_space<semaphore_mem>>, %arg14: memref<!tpu.dma_semaphore, #tpu.memory_space<semaphore_mem>>, %arg15: memref<!tpu.dma_semaphore, #tpu.memory_space<semaphore_mem>>) attributes {dimension_semantics = [#tpu.dimension_semantics<core_parallel>, #tpu.dimension_semantics<subcore_parallel>], iteration_bounds = array<i64: 2, 16>, scalar_prefetch = 0 : i64, scratch_operands = 11 : i64, tpu.core_type = #tpu.core_type<sc_vector_subcore>, window_params = [{transform_indices = #map}, {transform_indices = #map1}, {transform_indices = #map}]} {
    %mul3A = arith.constant 2 : i32
    %mul3A_0 = arith.muli %arg1, %mul3A : i32
    %add3A = arith.addi %mul3A_0, %arg0 : i32
    "tpu.region"() ({
      %run_scoped3A = tpu.sem_alloc : memref<!tpu.dma_semaphore, #tpu.memory_space<semaphore_mem>>
      tpu.enqueue_dma source(%arg3 : memref<16384xi32, #tpu.memory_space<hbm>>) target(%arg5 : memref<16384xi32, #tpu.memory_space<vmem>>) target_semaphore(%run_scoped3A : memref<!tpu.dma_semaphore, #tpu.memory_space<semaphore_mem>>)
      tpu.wait_dma2 semaphore(%run_scoped3A : memref<!tpu.dma_semaphore, #tpu.memory_space<semaphore_mem>>) src(%arg3 : memref<16384xi32, #tpu.memory_space<hbm>>) dst(%arg5 : memref<16384xi32, #tpu.memory_space<vmem>>)
      tpu.yield
    }) : () -> ()
    %iota3A = tpu.iota {dimensions = array<i32: 0>} : vector<16xi32>
    %mul3A_1 = arith.constant 65536 : i32
    %mul3A_2 = arith.muli %arg1, %mul3A_1 : i32
    %add3A_3 = arith.constant 0 : i32
    %add3A_4 = arith.addi %mul3A_2, %add3A_3 : i32
    %scan3A = arith.constant 0 : i32
    %scan3A_5 = arith.constant 0 : i32
    %scan3A_6 = arith.constant 256 : i32
    %scan3A_7 = arith.addi %scan3A_5, %scan3A_6 : i32
    %scan3A_8 = arith.constant 1 : i32
    scf.for %scan3A_1037 = %scan3A_5 to %scan3A_7 step %scan3A_8  : i32 {
      %mul3A_1038 = arith.constant 4 : i32
      %mul3A_1039 = arith.muli %scan3A_1037, %mul3A_1038 : i32
      %add3A_1040 = arith.constant 0 : i32
      %add3A_1041 = arith.addi %mul3A_1039, %add3A_1040 : i32
      %mul3A_1042 = arith.constant 16 : i32
      %mul3A_1043 = arith.muli %add3A_1041, %mul3A_1042 : i32
      %get3A_1044 = arith.index_cast %mul3A_1043 : i32 to index
      %get3A_1045 = tpu.vector_load %arg5[%get3A_1044] {strides = array<i32>} : memref<16384xi32, #tpu.memory_space<vmem>>, vector<16xi32>,
      %mul3A_1046 = arith.constant 16 : i32
      %mul3A_1047 = arith.muli %add3A_1041, %mul3A_1046 : i32
      %add3A_1048 = vector.broadcast %mul3A_1047 : i32 to vector<16xi32>
      %add3A_1049 = arith.addi %add3A_1048, %iota3A : vector<16xi32>
      %broadcast_in_dim3A = arith.constant true
      %broadcast_in_dim3A_1050 = vector.broadcast %broadcast_in_dim3A : i1 to vector<16xi1>
      %unique3A, %unique3A_1051 = tpu.scan_count mask(%broadcast_in_dim3A_1050 : vector<16xi1>) value(%get3A_1045 : vector<16xi32>) : vector<16xi1>, vector<16xi32>
      %sub3A = vector.broadcast %add3A_4 : i32 to vector<16xi32>
      %sub3A_1052 = arith.subi %get3A_1045, %sub3A : vector<16xi32>
      %lt3A = arith.constant 32768 : i32
      %lt3A_1053 = vector.broadcast %lt3A : i32 to vector<16xi32>
      %lt3A_1054 = arith.cmpi ult, %sub3A_1052, %lt3A_1053 : vector<16xi32>
      %and3A = arith.andi %unique3A, %lt3A_1054 : vector<16xi1>
      tpu.vector_store_idx %arg6[%sub3A_1052], %add3A_1049 masked %and3A : memref<32768xi32, #tpu.memory_space<vmem>>[vector<16xi32>], vector<16xi32>, vector<16xi1>
      %mul3A_1055 = arith.constant 4 : i32
      %mul3A_1056 = arith.muli %scan3A_1037, %mul3A_1055 : i32
      %add3A_1057 = arith.constant 1 : i32
      %add3A_1058 = arith.addi %mul3A_1056, %add3A_1057 : i32
      %mul3A_1059 = arith.constant 16 : i32
      %mul3A_1060 = arith.muli %add3A_1058, %mul3A_1059 : i32
      %get3A_1061 = arith.index_cast %mul3A_1060 : i32 to index
      %get3A_1062 = tpu.vector_load %arg5[%get3A_1061] {strides = array<i32>} : memref<16384xi32, #tpu.memory_space<vmem>>, vector<16xi32>,
      %mul3A_1063 = arith.constant 16 : i32
      %mul3A_1064 = arith.muli %add3A_1058, %mul3A_1063 : i32
      %add3A_1065 = vector.broadcast %mul3A_1064 : i32 to vector<16xi32>
      %add3A_1066 = arith.addi %add3A_1065, %iota3A : vector<16xi32>
      %broadcast_in_dim3A_1067 = arith.constant true
      %broadcast_in_dim3A_1068 = vector.broadcast %broadcast_in_dim3A_1067 : i1 to vector<16xi1>
      %unique3A_1069, %unique3A_1070 = tpu.scan_count mask(%broadcast_in_dim3A_1068 : vector<16xi1>) value(%get3A_1062 : vector<16xi32>) : vector<16xi1>, vector<16xi32>
      %sub3A_1071 = vector.broadcast %add3A_4 : i32 to vector<16xi32>
      %sub3A_1072 = arith.subi %get3A_1062, %sub3A_1071 : vector<16xi32>
      %lt3A_1073 = arith.constant 32768 : i32
      %lt3A_1074 = vector.broadcast %lt3A_1073 : i32 to vector<16xi32>
      %lt3A_1075 = arith.cmpi ult, %sub3A_1072, %lt3A_1074 : vector<16xi32>
      %and3A_1076 = arith.andi %unique3A_1069, %lt3A_1075 : vector<16xi1>
      tpu.vector_store_idx %arg6[%sub3A_1072], %add3A_1066 masked %and3A_1076 : memref<32768xi32, #tpu.memory_space<vmem>>[vector<16xi32>], vector<16xi32>, vector<16xi1>
      %mul3A_1077 = arith.constant 4 : i32
      %mul3A_1078 = arith.muli %scan3A_1037, %mul3A_1077 : i32
      %add3A_1079 = arith.constant 2 : i32
      %add3A_1080 = arith.addi %mul3A_1078, %add3A_1079 : i32
      %mul3A_1081 = arith.constant 16 : i32
      %mul3A_1082 = arith.muli %add3A_1080, %mul3A_1081 : i32
      %get3A_1083 = arith.index_cast %mul3A_1082 : i32 to index
      %get3A_1084 = tpu.vector_load %arg5[%get3A_1083] {strides = array<i32>} : memref<16384xi32, #tpu.memory_space<vmem>>, vector<16xi32>,
      %mul3A_1085 = arith.constant 16 : i32
      %mul3A_1086 = arith.muli %add3A_1080, %mul3A_1085 : i32
      %add3A_1087 = vector.broadcast %mul3A_1086 : i32 to vector<16xi32>
      %add3A_1088 = arith.addi %add3A_1087, %iota3A : vector<16xi32>
      %broadcast_in_dim3A_1089 = arith.constant true
      %broadcast_in_dim3A_1090 = vector.broadcast %broadcast_in_dim3A_1089 : i1 to vector<16xi1>
      %unique3A_1091, %unique3A_1092 = tpu.scan_count mask(%broadcast_in_dim3A_1090 : vector<16xi1>) value(%get3A_1084 : vector<16xi32>) : vector<16xi1>, vector<16xi32>
      %sub3A_1093 = vector.broadcast %add3A_4 : i32 to vector<16xi32>
      %sub3A_1094 = arith.subi %get3A_1084, %sub3A_1093 : vector<16xi32>
      %lt3A_1095 = arith.constant 32768 : i32
      %lt3A_1096 = vector.broadcast %lt3A_1095 : i32 to vector<16xi32>
      %lt3A_1097 = arith.cmpi ult, %sub3A_1094, %lt3A_1096 : vector<16xi32>
      %and3A_1098 = arith.andi %unique3A_1091, %lt3A_1097 : vector<16xi1>
      tpu.vector_store_idx %arg6[%sub3A_1094], %add3A_1088 masked %and3A_1098 : memref<32768xi32, #tpu.memory_space<vmem>>[vector<16xi32>], vector<16xi32>, vector<16xi1>
      %mul3A_1099 = arith.constant 4 : i32
      %mul3A_1100 = arith.muli %scan3A_1037, %mul3A_1099 : i32
      %add3A_1101 = arith.constant 3 : i32
      %add3A_1102 = arith.addi %mul3A_1100, %add3A_1101 : i32
      %mul3A_1103 = arith.constant 16 : i32
      %mul3A_1104 = arith.muli %add3A_1102, %mul3A_1103 : i32
      %get3A_1105 = arith.index_cast %mul3A_1104 : i32 to index
      %get3A_1106 = tpu.vector_load %arg5[%get3A_1105] {strides = array<i32>} : memref<16384xi32, #tpu.memory_space<vmem>>, vector<16xi32>,
      %mul3A_1107 = arith.constant 16 : i32
      %mul3A_1108 = arith.muli %add3A_1102, %mul3A_1107 : i32
      %add3A_1109 = vector.broadcast %mul3A_1108 : i32 to vector<16xi32>
      %add3A_1110 = arith.addi %add3A_1109, %iota3A : vector<16xi32>
      %broadcast_in_dim3A_1111 = arith.constant true
      %broadcast_in_dim3A_1112 = vector.broadcast %broadcast_in_dim3A_1111 : i1 to vector<16xi1>
      %unique3A_1113, %unique3A_1114 = tpu.scan_count mask(%broadcast_in_dim3A_1112 : vector<16xi1>) value(%get3A_1106 : vector<16xi32>) : vector<16xi1>, vector<16xi32>
      %sub3A_1115 = vector.broadcast %add3A_4 : i32 to vector<16xi32>
      %sub3A_1116 = arith.subi %get3A_1106, %sub3A_1115 : vector<16xi32>
      %lt3A_1117 = arith.constant 32768 : i32
      %lt3A_1118 = vector.broadcast %lt3A_1117 : i32 to vector<16xi32>
      %lt3A_1119 = arith.cmpi ult, %sub3A_1116, %lt3A_1118 : vector<16xi32>
      %and3A_1120 = arith.andi %unique3A_1113, %lt3A_1119 : vector<16xi1>
      tpu.vector_store_idx %arg6[%sub3A_1116], %add3A_1110 masked %and3A_1120 : memref<32768xi32, #tpu.memory_space<vmem>>[vector<16xi32>], vector<16xi32>, vector<16xi1>
    }
    %scan3A_9 = arith.constant 256 : i32
    "tpu.region"() ({
      %run_scoped3A = tpu.sem_alloc : memref<!tpu.dma_semaphore, #tpu.memory_space<semaphore_mem>>
      %dma_start3A_1037 = tpu.memref_slice %arg9[%add3A_4] : memref<1048576xi32, #tpu.memory_space<vmem_shared>> -> memref<32768xi32, #tpu.memory_space<vmem_shared>>
      %dma_start3A_1038 = tpu.memref_slice %arg9[%add3A_4] : memref<1048576xi32, #tpu.memory_space<vmem_shared>> -> memref<32768xi32, #tpu.memory_space<vmem_shared>>
      tpu.enqueue_dma source(%arg6 : memref<32768xi32, #tpu.memory_space<vmem>>) target(%dma_start3A_1038 : memref<32768xi32, #tpu.memory_space<vmem_shared>>) target_semaphore(%run_scoped3A : memref<!tpu.dma_semaphore, #tpu.memory_space<semaphore_mem>>)
      %dma_wait3A_1039 = tpu.memref_slice %arg9[%add3A_4] : memref<1048576xi32, #tpu.memory_space<vmem_shared>> -> memref<32768xi32, #tpu.memory_space<vmem_shared>>
      %dma_wait3A_1040 = tpu.memref_slice %arg9[%add3A_4] : memref<1048576xi32, #tpu.memory_space<vmem_shared>> -> memref<32768xi32, #tpu.memory_space<vmem_shared>>
      tpu.wait_dma2 semaphore(%run_scoped3A : memref<!tpu.dma_semaphore, #tpu.memory_space<semaphore_mem>>) src(%arg6 : memref<32768xi32, #tpu.memory_space<vmem>>) dst(%dma_wait3A_1040 : memref<32768xi32, #tpu.memory_space<vmem_shared>>)
      tpu.yield
    }) : () -> ()
    %mul3A_10 = arith.constant 65536 : i32
    %mul3A_11 = arith.muli %arg1, %mul3A_10 : i32
    %add3A_12 = arith.constant 32768 : i32
    %add3A_13 = arith.addi %mul3A_11, %add3A_12 : i32
    %scan3A_14 = arith.constant 0 : i32
    %scan3A_15 = arith.constant 0 : i32
    %scan3A_16 = arith.constant 256 : i32
    %scan3A_17 = arith.addi %scan3A_15, %scan3A_16 : i32
    %scan3A_18 = arith.constant 1 : i32
    scf.for %scan3A_1037 = %scan3A_15 to %scan3A_17 step %scan3A_18  : i32 {
      %mul3A_1038 = arith.constant 4 : i32
      %mul3A_1039 = arith.muli %scan3A_1037, %mul3A_1038 : i32
      %add3A_1040 = arith.constant 0 : i32
      %add3A_1041 = arith.addi %mul3A_1039, %add3A_1040 : i32
      %mul3A_1042 = arith.constant 16 : i32
      %mul3A_1043 = arith.muli %add3A_1041, %mul3A_1042 : i32
      %get3A_1044 = arith.index_cast %mul3A_1043 : i32 to index
      %get3A_1045 = tpu.vector_load %arg5[%get3A_1044] {strides = array<i32>} : memref<16384xi32, #tpu.memory_space<vmem>>, vector<16xi32>,
      %mul3A_1046 = arith.constant 16 : i32
      %mul3A_1047 = arith.muli %add3A_1041, %mul3A_1046 : i32
      %add3A_1048 = vector.broadcast %mul3A_1047 : i32 to vector<16xi32>
      %add3A_1049 = arith.addi %add3A_1048, %iota3A : vector<16xi32>
      %broadcast_in_dim3A = arith.constant true
      %broadcast_in_dim3A_1050 = vector.broadcast %broadcast_in_dim3A : i1 to vector<16xi1>
      %unique3A, %unique3A_1051 = tpu.scan_count mask(%broadcast_in_dim3A_1050 : vector<16xi1>) value(%get3A_1045 : vector<16xi32>) : vector<16xi1>, vector<16xi32>
      %sub3A = vector.broadcast %add3A_13 : i32 to vector<16xi32>
      %sub3A_1052 = arith.subi %get3A_1045, %sub3A : vector<16xi32>
      %lt3A = arith.constant 32768 : i32
      %lt3A_1053 = vector.broadcast %lt3A : i32 to vector<16xi32>
      %lt3A_1054 = arith.cmpi ult, %sub3A_1052, %lt3A_1053 : vector<16xi32>
      %and3A = arith.andi %unique3A, %lt3A_1054 : vector<16xi1>
      tpu.vector_store_idx %arg6[%sub3A_1052], %add3A_1049 masked %and3A : memref<32768xi32, #tpu.memory_space<vmem>>[vector<16xi32>], vector<16xi32>, vector<16xi1>
      %mul3A_1055 = arith.constant 4 : i32
      %mul3A_1056 = arith.muli %scan3A_1037, %mul3A_1055 : i32
      %add3A_1057 = arith.constant 1 : i32
      %add3A_1058 = arith.addi %mul3A_1056, %add3A_1057 : i32
      %mul3A_1059 = arith.constant 16 : i32
      %mul3A_1060 = arith.muli %add3A_1058, %mul3A_1059 : i32
      %get3A_1061 = arith.index_cast %mul3A_1060 : i32 to index
      %get3A_1062 = tpu.vector_load %arg5[%get3A_1061] {strides = array<i32>} : memref<16384xi32, #tpu.memory_space<vmem>>, vector<16xi32>,
      %mul3A_1063 = arith.constant 16 : i32
      %mul3A_1064 = arith.muli %add3A_1058, %mul3A_1063 : i32
      %add3A_1065 = vector.broadcast %mul3A_1064 : i32 to vector<16xi32>
      %add3A_1066 = arith.addi %add3A_1065, %iota3A : vector<16xi32>
      %broadcast_in_dim3A_1067 = arith.constant true
      %broadcast_in_dim3A_1068 = vector.broadcast %broadcast_in_dim3A_1067 : i1 to vector<16xi1>
      %unique3A_1069, %unique3A_1070 = tpu.scan_count mask(%broadcast_in_dim3A_1068 : vector<16xi1>) value(%get3A_1062 : vector<16xi32>) : vector<16xi1>, vector<16xi32>
      %sub3A_1071 = vector.broadcast %add3A_13 : i32 to vector<16xi32>
      %sub3A_1072 = arith.subi %get3A_1062, %sub3A_1071 : vector<16xi32>
      %lt3A_1073 = arith.constant 32768 : i32
      %lt3A_1074 = vector.broadcast %lt3A_1073 : i32 to vector<16xi32>
      %lt3A_1075 = arith.cmpi ult, %sub3A_1072, %lt3A_1074 : vector<16xi32>
      %and3A_1076 = arith.andi %unique3A_1069, %lt3A_1075 : vector<16xi1>
      tpu.vector_store_idx %arg6[%sub3A_1072], %add3A_1066 masked %and3A_1076 : memref<32768xi32, #tpu.memory_space<vmem>>[vector<16xi32>], vector<16xi32>, vector<16xi1>
      %mul3A_1077 = arith.constant 4 : i32
      %mul3A_1078 = arith.muli %scan3A_1037, %mul3A_1077 : i32
      %add3A_1079 = arith.constant 2 : i32
      %add3A_1080 = arith.addi %mul3A_1078, %add3A_1079 : i32
      %mul3A_1081 = arith.constant 16 : i32
      %mul3A_1082 = arith.muli %add3A_1080, %mul3A_1081 : i32
      %get3A_1083 = arith.index_cast %mul3A_1082 : i32 to index
      %get3A_1084 = tpu.vector_load %arg5[%get3A_1083] {strides = array<i32>} : memref<16384xi32, #tpu.memory_space<vmem>>, vector<16xi32>,
      %mul3A_1085 = arith.constant 16 : i32
      %mul3A_1086 = arith.muli %add3A_1080, %mul3A_1085 : i32
      %add3A_1087 = vector.broadcast %mul3A_1086 : i32 to vector<16xi32>
      %add3A_1088 = arith.addi %add3A_1087, %iota3A : vector<16xi32>
      %broadcast_in_dim3A_1089 = arith.constant true
      %broadcast_in_dim3A_1090 = vector.broadcast %broadcast_in_dim3A_1089 : i1 to vector<16xi1>
      %unique3A_1091, %unique3A_1092 = tpu.scan_count mask(%broadcast_in_dim3A_1090 : vector<16xi1>) value(%get3A_1084 : vector<16xi32>) : vector<16xi1>, vector<16xi32>
      %sub3A_1093 = vector.broadcast %add3A_13 : i32 to vector<16xi32>
      %sub3A_1094 = arith.subi %get3A_1084, %sub3A_1093 : vector<16xi32>
      %lt3A_1095 = arith.constant 32768 : i32
      %lt3A_1096 = vector.broadcast %lt3A_1095 : i32 to vector<16xi32>
      %lt3A_1097 = arith.cmpi ult, %sub3A_1094, %lt3A_1096 : vector<16xi32>
      %and3A_1098 = arith.andi %unique3A_1091, %lt3A_1097 : vector<16xi1>
      tpu.vector_store_idx %arg6[%sub3A_1094], %add3A_1088 masked %and3A_1098 : memref<32768xi32, #tpu.memory_space<vmem>>[vector<16xi32>], vector<16xi32>, vector<16xi1>
      %mul3A_1099 = arith.constant 4 : i32
      %mul3A_1100 = arith.muli %scan3A_1037, %mul3A_1099 : i32
      %add3A_1101 = arith.constant 3 : i32
      %add3A_1102 = arith.addi %mul3A_1100, %add3A_1101 : i32
      %mul3A_1103 = arith.constant 16 : i32
      %mul3A_1104 = arith.muli %add3A_1102, %mul3A_1103 : i32
      %get3A_1105 = arith.index_cast %mul3A_1104 : i32 to index
      %get3A_1106 = tpu.vector_load %arg5[%get3A_1105] {strides = array<i32>} : memref<16384xi32, #tpu.memory_space<vmem>>, vector<16xi32>,
      %mul3A_1107 = arith.constant 16 : i32
      %mul3A_1108 = arith.muli %add3A_1102, %mul3A_1107 : i32
      %add3A_1109 = vector.broadcast %mul3A_1108 : i32 to vector<16xi32>
      %add3A_1110 = arith.addi %add3A_1109, %iota3A : vector<16xi32>
      %broadcast_in_dim3A_1111 = arith.constant true
      %broadcast_in_dim3A_1112 = vector.broadcast %broadcast_in_dim3A_1111 : i1 to vector<16xi1>
      %unique3A_1113, %unique3A_1114 = tpu.scan_count mask(%broadcast_in_dim3A_1112 : vector<16xi1>) value(%get3A_1106 : vector<16xi32>) : vector<16xi1>, vector<16xi32>
      %sub3A_1115 = vector.broadcast %add3A_13 : i32 to vector<16xi32>
      %sub3A_1116 = arith.subi %get3A_1106, %sub3A_1115 : vector<16xi32>
      %lt3A_1117 = arith.constant 32768 : i32
      %lt3A_1118 = vector.broadcast %lt3A_1117 : i32 to vector<16xi32>
      %lt3A_1119 = arith.cmpi ult, %sub3A_1116, %lt3A_1118 : vector<16xi32>
      %and3A_1120 = arith.andi %unique3A_1113, %lt3A_1119 : vector<16xi1>
      tpu.vector_store_idx %arg6[%sub3A_1116], %add3A_1110 masked %and3A_1120 : memref<32768xi32, #tpu.memory_space<vmem>>[vector<16xi32>], vector<16xi32>, vector<16xi1>
    }
    %scan3A_19 = arith.constant 256 : i32
    "tpu.region"() ({
      %run_scoped3A = tpu.sem_alloc : memref<!tpu.dma_semaphore, #tpu.memory_space<semaphore_mem>>
      %dma_start3A_1037 = tpu.memref_slice %arg9[%add3A_13] : memref<1048576xi32, #tpu.memory_space<vmem_shared>> -> memref<32768xi32, #tpu.memory_space<vmem_shared>>
      %dma_start3A_1038 = tpu.memref_slice %arg9[%add3A_13] : memref<1048576xi32, #tpu.memory_space<vmem_shared>> -> memref<32768xi32, #tpu.memory_space<vmem_shared>>
      tpu.enqueue_dma source(%arg6 : memref<32768xi32, #tpu.memory_space<vmem>>) target(%dma_start3A_1038 : memref<32768xi32, #tpu.memory_space<vmem_shared>>) target_semaphore(%run_scoped3A : memref<!tpu.dma_semaphore, #tpu.memory_space<semaphore_mem>>)
      %dma_wait3A_1039 = tpu.memref_slice %arg9[%add3A_13] : memref<1048576xi32, #tpu.memory_space<vmem_shared>> -> memref<32768xi32, #tpu.memory_space<vmem_shared>>
      %dma_wait3A_1040 = tpu.memref_slice %arg9[%add3A_13] : memref<1048576xi32, #tpu.memory_space<vmem_shared>> -> memref<32768xi32, #tpu.memory_space<vmem_shared>>
      tpu.wait_dma2 semaphore(%run_scoped3A : memref<!tpu.dma_semaphore, #tpu.memory_space<semaphore_mem>>) src(%arg6 : memref<32768xi32, #tpu.memory_space<vmem>>) dst(%dma_wait3A_1040 : memref<32768xi32, #tpu.memory_space<vmem_shared>>)
      tpu.yield
    }) : () -> ()
    %barrier3A = arith.constant 0 : index
    tpu.barrier barrier_id(%barrier3A)
    %mul3A_20 = arith.constant 512 : i32
    %mul3A_21 = arith.muli %add3A, %mul3A_20 : i32
    %add3A_22 = arith.constant 0 : i32
    %add3A_23 = arith.addi %mul3A_21, %add3A_22 : i32
    %dma_start3A = arith.constant 0 : i32
    %dma_start3A_24 = arith.constant 0 : i32
    %dma_start3A_25 = tpu.memref_slice %arg7[%dma_start3A, %dma_start3A_24] : memref<2x64xi32, #tpu.memory_space<vmem>> -> memref<1x64xi32, #tpu.memory_space<vmem>>
    %dma_start3A_26 = tpu.memref_squeeze %dma_start3A_25 : memref<1x64xi32, #tpu.memory_space<vmem>> -> memref<64xi32, #tpu.memory_space<vmem>>
    %dma_start3A_27 = tpu.memref_slice %arg5[%add3A_23] : memref<16384xi32, #tpu.memory_space<vmem>> -> memref<64xi32, #tpu.memory_space<vmem>>
    %dma_start3A_28 = arith.constant 0 : i32
    %dma_start3A_29 = tpu.memref_slice %arg9[%dma_start3A_28] : memref<1048576xi32, #tpu.memory_space<vmem_shared>> -> memref<1048576xi32, #tpu.memory_space<vmem_shared>>
    tpu.enqueue_indirect_dma source(%dma_start3A_29 : memref<1048576xi32, #tpu.memory_space<vmem_shared>>) target(%dma_start3A_26 : memref<64xi32, #tpu.memory_space<vmem>>) offsets(%dma_start3A_27 : memref<64xi32, #tpu.memory_space<vmem>>) semaphore(%arg10 : memref<!tpu.dma_semaphore, #tpu.memory_space<semaphore_mem>>)
    %mul3A_30 = arith.constant 512 : i32
    %mul3A_31 = arith.muli %add3A, %mul3A_30 : i32
    %add3A_32 = arith.constant 0 : i32
    %add3A_33 = arith.addi %mul3A_31, %add3A_32 : i32
    %dma_wait3A = arith.constant 0 : i32
    %dma_wait3A_34 = arith.constant 0 : i32
    %dma_wait3A_35 = tpu.memref_slice %arg7[%dma_wait3A, %dma_wait3A_34] : memref<2x64xi32, #tpu.memory_space<vmem>> -> memref<1x64xi32, #tpu.memory_space<vmem>>
    %dma_wait3A_36 = tpu.memref_squeeze %dma_wait3A_35 : memref<1x64xi32, #tpu.memory_space<vmem>> -> memref<64xi32, #tpu.memory_space<vmem>>
    %dma_wait3A_37 = tpu.memref_slice %arg5[%add3A_23] : memref<16384xi32, #tpu.memory_space<vmem>> -> memref<64xi32, #tpu.memory_space<vmem>>
    %dma_wait3A_38 = arith.constant 0 : i32
    %dma_wait3A_39 = tpu.memref_slice %arg9[%dma_wait3A_38] : memref<1048576xi32, #tpu.memory_space<vmem_shared>> -> memref<1048576xi32, #tpu.memory_space<vmem_shared>>
    tpu.wait_indirect_dma semaphore(%arg10 : memref<!tpu.dma_semaphore, #tpu.memory_space<semaphore_mem>>) src(%dma_wait3A_39 : memref<1048576xi32, #tpu.memory_space<vmem_shared>>) dst(%dma_wait3A_36 : memref<64xi32, #tpu.memory_space<vmem>>)
    %get3A = arith.constant 0 : i32
    %get3A_40 = arith.index_cast %get3A : i32 to index
    %get3A_41 = arith.constant 0 : index
    %get3A_42 = tpu.vector_load %arg7[%get3A_40, %get3A_41] {strides = array<i32>} : memref<2x64xi32, #tpu.memory_space<vmem>>, vector<16xi32>,
    %jit3A = arith.constant 0 : i32
    %jit3A_43 = arith.constant 16383 : i32
    %max3A = vector.broadcast %jit3A : i32 to vector<16xi32>
    %max3A_44 = arith.maxsi %max3A, %get3A_42 : vector<16xi32>
    %min3A = vector.broadcast %jit3A_43 : i32 to vector<16xi32>
    %min3A_45 = arith.minsi %min3A, %max3A_44 : vector<16xi32>
    %swap3A = arith.constant 0 : i32
    %swap3A_46 = arith.index_cast %swap3A : i32 to index
    %swap3A_47 = arith.constant 0 : index
    %swap3A_48 = tpu.vector_load %arg7[%swap3A_46, %swap3A_47] {strides = array<i32>} : memref<2x64xi32, #tpu.memory_space<vmem>>, vector<16xi32>,
    tpu.vector_store %arg7[%swap3A_46, %swap3A_47], %min3A_45 {strides = array<i32>} : memref<2x64xi32, #tpu.memory_space<vmem>>, vector<16xi32>,
    %get3A_49 = arith.constant 0 : i32
    %get3A_50 = arith.index_cast %get3A_49 : i32 to index
    %get3A_51 = arith.constant 16 : index
    %get3A_52 = tpu.vector_load %arg7[%get3A_50, %get3A_51] {strides = array<i32>} : memref<2x64xi32, #tpu.memory_space<vmem>>, vector<16xi32>,
    %jit3A_53 = arith.constant 0 : i32
    %jit3A_54 = arith.constant 16383 : i32
    %max3A_55 = vector.broadcast %jit3A_53 : i32 to vector<16xi32>
    %max3A_56 = arith.maxsi %max3A_55, %get3A_52 : vector<16xi32>
    %min3A_57 = vector.broadcast %jit3A_54 : i32 to vector<16xi32>
    %min3A_58 = arith.minsi %min3A_57, %max3A_56 : vector<16xi32>
    %swap3A_59 = arith.constant 0 : i32
    %swap3A_60 = arith.index_cast %swap3A_59 : i32 to index
    %swap3A_61 = arith.constant 16 : index
    %swap3A_62 = tpu.vector_load %arg7[%swap3A_60, %swap3A_61] {strides = array<i32>} : memref<2x64xi32, #tpu.memory_space<vmem>>, vector<16xi32>,
    tpu.vector_store %arg7[%swap3A_60, %swap3A_61], %min3A_58 {strides = array<i32>} : memref<2x64xi32, #tpu.memory_space<vmem>>, vector<16xi32>,
    %get3A_63 = arith.constant 0 : i32
    %get3A_64 = arith.index_cast %get3A_63 : i32 to index
    %get3A_65 = arith.constant 32 : index
    %get3A_66 = tpu.vector_load %arg7[%get3A_64, %get3A_65] {strides = array<i32>} : memref<2x64xi32, #tpu.memory_space<vmem>>, vector<16xi32>,
    %jit3A_67 = arith.constant 0 : i32
    %jit3A_68 = arith.constant 16383 : i32
    %max3A_69 = vector.broadcast %jit3A_67 : i32 to vector<16xi32>
    %max3A_70 = arith.maxsi %max3A_69, %get3A_66 : vector<16xi32>
    %min3A_71 = vector.broadcast %jit3A_68 : i32 to vector<16xi32>
    %min3A_72 = arith.minsi %min3A_71, %max3A_70 : vector<16xi32>
    %swap3A_73 = arith.constant 0 : i32
    %swap3A_74 = arith.index_cast %swap3A_73 : i32 to index
    %swap3A_75 = arith.constant 32 : index
    %swap3A_76 = tpu.vector_load %arg7[%swap3A_74, %swap3A_75] {strides = array<i32>} : memref<2x64xi32, #tpu.memory_space<vmem>>, vector<16xi32>,
    tpu.vector_store %arg7[%swap3A_74, %swap3A_75], %min3A_72 {strides = array<i32>} : memref<2x64xi32, #tpu.memory_space<vmem>>, vector<16xi32>,
    %get3A_77 = arith.constant 0 : i32
    %get3A_78 = arith.index_cast %get3A_77 : i32 to index
    %get3A_79 = arith.constant 48 : index
    %get3A_80 = tpu.vector_load %arg7[%get3A_78, %get3A_79] {strides = array<i32>} : memref<2x64xi32, #tpu.memory_space<vmem>>, vector<16xi32>,
    %jit3A_81 = arith.constant 0 : i32
    %jit3A_82 = arith.constant 16383 : i32
    %max3A_83 = vector.broadcast %jit3A_81 : i32 to vector<16xi32>
    %max3A_84 = arith.maxsi %max3A_83, %get3A_80 : vector<16xi32>
    %min3A_85 = vector.broadcast %jit3A_82 : i32 to vector<16xi32>
    %min3A_86 = arith.minsi %min3A_85, %max3A_84 : vector<16xi32>
    %swap3A_87 = arith.constant 0 : i32
    %swap3A_88 = arith.index_cast %swap3A_87 : i32 to index
    %swap3A_89 = arith.constant 48 : index
    %swap3A_90 = tpu.vector_load %arg7[%swap3A_88, %swap3A_89] {strides = array<i32>} : memref<2x64xi32, #tpu.memory_space<vmem>>, vector<16xi32>,
    tpu.vector_store %arg7[%swap3A_88, %swap3A_89], %min3A_86 {strides = array<i32>} : memref<2x64xi32, #tpu.memory_space<vmem>>, vector<16xi32>,
    %mul3A_91 = arith.constant 512 : i32
    %mul3A_92 = arith.muli %add3A, %mul3A_91 : i32
    %add3A_93 = arith.constant 64 : i32
    %add3A_94 = arith.addi %mul3A_92, %add3A_93 : i32
    %dma_start3A_95 = arith.constant 1 : i32
    %dma_start3A_96 = arith.constant 0 : i32
    %dma_start3A_97 = tpu.memref_slice %arg7[%dma_start3A_95, %dma_start3A_96] : memref<2x64xi32, #tpu.memory_space<vmem>> -> memref<1x64xi32, #tpu.memory_space<vmem>>
    %dma_start3A_98 = tpu.memref_squeeze %dma_start3A_97 : memref<1x64xi32, #tpu.memory_space<vmem>> -> memref<64xi32, #tpu.memory_space<vmem>>
    %dma_start3A_99 = tpu.memref_slice %arg5[%add3A_94] : memref<16384xi32, #tpu.memory_space<vmem>> -> memref<64xi32, #tpu.memory_space<vmem>>
    %dma_start3A_100 = arith.constant 0 : i32
    %dma_start3A_101 = tpu.memref_slice %arg9[%dma_start3A_100] : memref<1048576xi32, #tpu.memory_space<vmem_shared>> -> memref<1048576xi32, #tpu.memory_space<vmem_shared>>
    tpu.enqueue_indirect_dma source(%dma_start3A_101 : memref<1048576xi32, #tpu.memory_space<vmem_shared>>) target(%dma_start3A_98 : memref<64xi32, #tpu.memory_space<vmem>>) offsets(%dma_start3A_99 : memref<64xi32, #tpu.memory_space<vmem>>) semaphore(%arg11 : memref<!tpu.dma_semaphore, #tpu.memory_space<semaphore_mem>>)
    %dma_start3A_102 = arith.constant 0 : i32
    %dma_start3A_103 = arith.constant 0 : i32
    %dma_start3A_104 = arith.constant 0 : i32
    %dma_start3A_105 = arith.constant 0 : i32
    %dma_start3A_106 = tpu.memref_slice %arg8[%dma_start3A_103, %dma_start3A_104, %dma_start3A_105] : memref<2x64x64xf32, #tpu.memory_space<vmem>> -> memref<1x64x64xf32, #tpu.memory_space<vmem>>
    %dma_start3A_107 = tpu.memref_squeeze %dma_start3A_106 : memref<1x64x64xf32, #tpu.memory_space<vmem>> -> memref<64x64xf32, #tpu.memory_space<vmem>>
    %dma_start3A_108 = arith.constant 0 : i32
    %dma_start3A_109 = tpu.memref_slice %arg7[%dma_start3A_102, %dma_start3A_108] : memref<2x64xi32, #tpu.memory_space<vmem>> -> memref<1x64xi32, #tpu.memory_space<vmem>>
    %dma_start3A_110 = tpu.memref_squeeze %dma_start3A_109 : memref<1x64xi32, #tpu.memory_space<vmem>> -> memref<64xi32, #tpu.memory_space<vmem>>
    %dma_start3A_111 = arith.constant 0 : i32
    %dma_start3A_112 = arith.constant 0 : i32
    %dma_start3A_113 = tpu.memref_slice %arg2[%dma_start3A_111, %dma_start3A_112] : memref<16384x64xf32, #tpu.memory_space<hbm>> -> memref<16384x64xf32, #tpu.memory_space<hbm>>
    tpu.enqueue_indirect_dma source(%dma_start3A_113 : memref<16384x64xf32, #tpu.memory_space<hbm>>) target(%dma_start3A_107 : memref<64x64xf32, #tpu.memory_space<vmem>>) offsets(%dma_start3A_110 : memref<64xi32, #tpu.memory_space<vmem>>) semaphore(%arg12 : memref<!tpu.dma_semaphore, #tpu.memory_space<semaphore_mem>>)
    %dma_wait3A_114 = arith.constant 0 : i32
    %dma_wait3A_115 = arith.constant 0 : i32
    %dma_wait3A_116 = arith.constant 0 : i32
    %dma_wait3A_117 = arith.constant 0 : i32
    %dma_wait3A_118 = tpu.memref_slice %arg8[%dma_wait3A_115, %dma_wait3A_116, %dma_wait3A_117] : memref<2x64x64xf32, #tpu.memory_space<vmem>> -> memref<1x64x64xf32, #tpu.memory_space<vmem>>
    %dma_wait3A_119 = tpu.memref_squeeze %dma_wait3A_118 : memref<1x64x64xf32, #tpu.memory_space<vmem>> -> memref<64x64xf32, #tpu.memory_space<vmem>>
    %dma_wait3A_120 = arith.constant 0 : i32
    %dma_wait3A_121 = tpu.memref_slice %arg7[%dma_wait3A_114, %dma_wait3A_120] : memref<2x64xi32, #tpu.memory_space<vmem>> -> memref<1x64xi32, #tpu.memory_space<vmem>>
    %dma_wait3A_122 = tpu.memref_squeeze %dma_wait3A_121 : memref<1x64xi32, #tpu.memory_space<vmem>> -> memref<64xi32, #tpu.memory_space<vmem>>
    %dma_wait3A_123 = arith.constant 0 : i32
    %dma_wait3A_124 = arith.constant 0 : i32
    %dma_wait3A_125 = tpu.memref_slice %arg2[%dma_wait3A_123, %dma_wait3A_124] : memref<16384x64xf32, #tpu.memory_space<hbm>> -> memref<16384x64xf32, #tpu.memory_space<hbm>>
    tpu.wait_indirect_dma semaphore(%arg12 : memref<!tpu.dma_semaphore, #tpu.memory_space<semaphore_mem>>) src(%dma_wait3A_125 : memref<16384x64xf32, #tpu.memory_space<hbm>>) dst(%dma_wait3A_119 : memref<64x64xf32, #tpu.memory_space<vmem>>)
    %dma_start3A_126 = arith.constant 0 : i32
    %dma_start3A_127 = arith.constant 0 : i32
    %dma_start3A_128 = arith.constant 0 : i32
    %dma_start3A_129 = tpu.memref_slice %arg8[%dma_start3A_126, %dma_start3A_127, %dma_start3A_128] : memref<2x64x64xf32, #tpu.memory_space<vmem>> -> memref<1x64x64xf32, #tpu.memory_space<vmem>>
    %dma_start3A_130 = tpu.memref_squeeze %dma_start3A_129 : memref<1x64x64xf32, #tpu.memory_space<vmem>> -> memref<64x64xf32, #tpu.memory_space<vmem>>
    %dma_start3A_131 = arith.constant 0 : i32
    %dma_start3A_132 = tpu.memref_slice %arg4[%add3A_33, %dma_start3A_131] : memref<16384x64xf32, #tpu.memory_space<hbm>> -> memref<64x64xf32, #tpu.memory_space<hbm>>
    %dma_start3A_133 = arith.constant 0 : i32
    %dma_start3A_134 = tpu.memref_slice %arg4[%add3A_33, %dma_start3A_133] : memref<16384x64xf32, #tpu.memory_space<hbm>> -> memref<64x64xf32, #tpu.memory_space<hbm>>
    %dma_start3A_135 = arith.constant 0 : i32
    %dma_start3A_136 = arith.constant 0 : i32
    %dma_start3A_137 = tpu.memref_slice %arg8[%dma_start3A_126, %dma_start3A_135, %dma_start3A_136] : memref<2x64x64xf32, #tpu.memory_space<vmem>> -> memref<1x64x64xf32, #tpu.memory_space<vmem>>
    %dma_start3A_138 = tpu.memref_squeeze %dma_start3A_137 : memref<1x64x64xf32, #tpu.memory_space<vmem>> -> memref<64x64xf32, #tpu.memory_space<vmem>>
    tpu.enqueue_dma source(%dma_start3A_138 : memref<64x64xf32, #tpu.memory_space<vmem>>) target(%dma_start3A_134 : memref<64x64xf32, #tpu.memory_space<hbm>>) target_semaphore(%arg14 : memref<!tpu.dma_semaphore, #tpu.memory_space<semaphore_mem>>)
    %mul3A_139 = arith.constant 512 : i32
    %mul3A_140 = arith.muli %add3A, %mul3A_139 : i32
    %add3A_141 = arith.constant 64 : i32
    %add3A_142 = arith.addi %mul3A_140, %add3A_141 : i32
    %dma_wait3A_143 = arith.constant 1 : i32
    %dma_wait3A_144 = arith.constant 0 : i32
    %dma_wait3A_145 = tpu.memref_slice %arg7[%dma_wait3A_143, %dma_wait3A_144] : memref<2x64xi32, #tpu.memory_space<vmem>> -> memref<1x64xi32, #tpu.memory_space<vmem>>
    %dma_wait3A_146 = tpu.memref_squeeze %dma_wait3A_145 : memref<1x64xi32, #tpu.memory_space<vmem>> -> memref<64xi32, #tpu.memory_space<vmem>>
    %dma_wait3A_147 = tpu.memref_slice %arg5[%add3A_94] : memref<16384xi32, #tpu.memory_space<vmem>> -> memref<64xi32, #tpu.memory_space<vmem>>
    %dma_wait3A_148 = arith.constant 0 : i32
    %dma_wait3A_149 = tpu.memref_slice %arg9[%dma_wait3A_148] : memref<1048576xi32, #tpu.memory_space<vmem_shared>> -> memref<1048576xi32, #tpu.memory_space<vmem_shared>>
    tpu.wait_indirect_dma semaphore(%arg11 : memref<!tpu.dma_semaphore, #tpu.memory_space<semaphore_mem>>) src(%dma_wait3A_149 : memref<1048576xi32, #tpu.memory_space<vmem_shared>>) dst(%dma_wait3A_146 : memref<64xi32, #tpu.memory_space<vmem>>)
    %get3A_150 = arith.constant 1 : i32
    %get3A_151 = arith.index_cast %get3A_150 : i32 to index
    %get3A_152 = arith.constant 0 : index
    %get3A_153 = tpu.vector_load %arg7[%get3A_151, %get3A_152] {strides = array<i32>} : memref<2x64xi32, #tpu.memory_space<vmem>>, vector<16xi32>,
    %jit3A_154 = arith.constant 0 : i32
    %jit3A_155 = arith.constant 16383 : i32
    %max3A_156 = vector.broadcast %jit3A_154 : i32 to vector<16xi32>
    %max3A_157 = arith.maxsi %max3A_156, %get3A_153 : vector<16xi32>
    %min3A_158 = vector.broadcast %jit3A_155 : i32 to vector<16xi32>
    %min3A_159 = arith.minsi %min3A_158, %max3A_157 : vector<16xi32>
    %swap3A_160 = arith.constant 1 : i32
    %swap3A_161 = arith.index_cast %swap3A_160 : i32 to index
    %swap3A_162 = arith.constant 0 : index
    %swap3A_163 = tpu.vector_load %arg7[%swap3A_161, %swap3A_162] {strides = array<i32>} : memref<2x64xi32, #tpu.memory_space<vmem>>, vector<16xi32>,
    tpu.vector_store %arg7[%swap3A_161, %swap3A_162], %min3A_159 {strides = array<i32>} : memref<2x64xi32, #tpu.memory_space<vmem>>, vector<16xi32>,
    %get3A_164 = arith.constant 1 : i32
    %get3A_165 = arith.index_cast %get3A_164 : i32 to index
    %get3A_166 = arith.constant 16 : index
    %get3A_167 = tpu.vector_load %arg7[%get3A_165, %get3A_166] {strides = array<i32>} : memref<2x64xi32, #tpu.memory_space<vmem>>, vector<16xi32>,
    %jit3A_168 = arith.constant 0 : i32
    %jit3A_169 = arith.constant 16383 : i32
    %max3A_170 = vector.broadcast %jit3A_168 : i32 to vector<16xi32>
    %max3A_171 = arith.maxsi %max3A_170, %get3A_167 : vector<16xi32>
    %min3A_172 = vector.broadcast %jit3A_169 : i32 to vector<16xi32>
    %min3A_173 = arith.minsi %min3A_172, %max3A_171 : vector<16xi32>
    %swap3A_174 = arith.constant 1 : i32
    %swap3A_175 = arith.index_cast %swap3A_174 : i32 to index
    %swap3A_176 = arith.constant 16 : index
    %swap3A_177 = tpu.vector_load %arg7[%swap3A_175, %swap3A_176] {strides = array<i32>} : memref<2x64xi32, #tpu.memory_space<vmem>>, vector<16xi32>,
    tpu.vector_store %arg7[%swap3A_175, %swap3A_176], %min3A_173 {strides = array<i32>} : memref<2x64xi32, #tpu.memory_space<vmem>>, vector<16xi32>,
    %get3A_178 = arith.constant 1 : i32
    %get3A_179 = arith.index_cast %get3A_178 : i32 to index
    %get3A_180 = arith.constant 32 : index
    %get3A_181 = tpu.vector_load %arg7[%get3A_179, %get3A_180] {strides = array<i32>} : memref<2x64xi32, #tpu.memory_space<vmem>>, vector<16xi32>,
    %jit3A_182 = arith.constant 0 : i32
    %jit3A_183 = arith.constant 16383 : i32
    %max3A_184 = vector.broadcast %jit3A_182 : i32 to vector<16xi32>
    %max3A_185 = arith.maxsi %max3A_184, %get3A_181 : vector<16xi32>
    %min3A_186 = vector.broadcast %jit3A_183 : i32 to vector<16xi32>
    %min3A_187 = arith.minsi %min3A_186, %max3A_185 : vector<16xi32>
    %swap3A_188 = arith.constant 1 : i32
    %swap3A_189 = arith.index_cast %swap3A_188 : i32 to index
    %swap3A_190 = arith.constant 32 : index
    %swap3A_191 = tpu.vector_load %arg7[%swap3A_189, %swap3A_190] {strides = array<i32>} : memref<2x64xi32, #tpu.memory_space<vmem>>, vector<16xi32>,
    tpu.vector_store %arg7[%swap3A_189, %swap3A_190], %min3A_187 {strides = array<i32>} : memref<2x64xi32, #tpu.memory_space<vmem>>, vector<16xi32>,
    %get3A_192 = arith.constant 1 : i32
    %get3A_193 = arith.index_cast %get3A_192 : i32 to index
    %get3A_194 = arith.constant 48 : index
    %get3A_195 = tpu.vector_load %arg7[%get3A_193, %get3A_194] {strides = array<i32>} : memref<2x64xi32, #tpu.memory_space<vmem>>, vector<16xi32>,
    %jit3A_196 = arith.constant 0 : i32
    %jit3A_197 = arith.constant 16383 : i32
    %max3A_198 = vector.broadcast %jit3A_196 : i32 to vector<16xi32>
    %max3A_199 = arith.maxsi %max3A_198, %get3A_195 : vector<16xi32>
    %min3A_200 = vector.broadcast %jit3A_197 : i32 to vector<16xi32>
    %min3A_201 = arith.minsi %min3A_200, %max3A_199 : vector<16xi32>
    %swap3A_202 = arith.constant 1 : i32
    %swap3A_203 = arith.index_cast %swap3A_202 : i32 to index
    %swap3A_204 = arith.constant 48 : index
    %swap3A_205 = tpu.vector_load %arg7[%swap3A_203, %swap3A_204] {strides = array<i32>} : memref<2x64xi32, #tpu.memory_space<vmem>>, vector<16xi32>,
    tpu.vector_store %arg7[%swap3A_203, %swap3A_204], %min3A_201 {strides = array<i32>} : memref<2x64xi32, #tpu.memory_space<vmem>>, vector<16xi32>,
    %mul3A_206 = arith.constant 512 : i32
    %mul3A_207 = arith.muli %add3A, %mul3A_206 : i32
    %add3A_208 = arith.constant 128 : i32
    %add3A_209 = arith.addi %mul3A_207, %add3A_208 : i32
    %dma_start3A_210 = arith.constant 0 : i32
    %dma_start3A_211 = arith.constant 0 : i32
    %dma_start3A_212 = tpu.memref_slice %arg7[%dma_start3A_210, %dma_start3A_211] : memref<2x64xi32, #tpu.memory_space<vmem>> -> memref<1x64xi32, #tpu.memory_space<vmem>>
    %dma_start3A_213 = tpu.memref_squeeze %dma_start3A_212 : memref<1x64xi32, #tpu.memory_space<vmem>> -> memref<64xi32, #tpu.memory_space<vmem>>
    %dma_start3A_214 = tpu.memref_slice %arg5[%add3A_209] : memref<16384xi32, #tpu.memory_space<vmem>> -> memref<64xi32, #tpu.memory_space<vmem>>
    %dma_start3A_215 = arith.constant 0 : i32
    %dma_start3A_216 = tpu.memref_slice %arg9[%dma_start3A_215] : memref<1048576xi32, #tpu.memory_space<vmem_shared>> -> memref<1048576xi32, #tpu.memory_space<vmem_shared>>
    tpu.enqueue_indirect_dma source(%dma_start3A_216 : memref<1048576xi32, #tpu.memory_space<vmem_shared>>) target(%dma_start3A_213 : memref<64xi32, #tpu.memory_space<vmem>>) offsets(%dma_start3A_214 : memref<64xi32, #tpu.memory_space<vmem>>) semaphore(%arg10 : memref<!tpu.dma_semaphore, #tpu.memory_space<semaphore_mem>>)
    %dma_start3A_217 = arith.constant 1 : i32
    %dma_start3A_218 = arith.constant 1 : i32
    %dma_start3A_219 = arith.constant 0 : i32
    %dma_start3A_220 = arith.constant 0 : i32
    %dma_start3A_221 = tpu.memref_slice %arg8[%dma_start3A_218, %dma_start3A_219, %dma_start3A_220] : memref<2x64x64xf32, #tpu.memory_space<vmem>> -> memref<1x64x64xf32, #tpu.memory_space<vmem>>
    %dma_start3A_222 = tpu.memref_squeeze %dma_start3A_221 : memref<1x64x64xf32, #tpu.memory_space<vmem>> -> memref<64x64xf32, #tpu.memory_space<vmem>>
    %dma_start3A_223 = arith.constant 0 : i32
    %dma_start3A_224 = tpu.memref_slice %arg7[%dma_start3A_217, %dma_start3A_223] : memref<2x64xi32, #tpu.memory_space<vmem>> -> memref<1x64xi32, #tpu.memory_space<vmem>>
    %dma_start3A_225 = tpu.memref_squeeze %dma_start3A_224 : memref<1x64xi32, #tpu.memory_space<vmem>> -> memref<64xi32, #tpu.memory_space<vmem>>
    %dma_start3A_226 = arith.constant 0 : i32
    %dma_start3A_227 = arith.constant 0 : i32
    %dma_start3A_228 = tpu.memref_slice %arg2[%dma_start3A_226, %dma_start3A_227] : memref<16384x64xf32, #tpu.memory_space<hbm>> -> memref<16384x64xf32, #tpu.memory_space<hbm>>
    tpu.enqueue_indirect_dma source(%dma_start3A_228 : memref<16384x64xf32, #tpu.memory_space<hbm>>) target(%dma_start3A_222 : memref<64x64xf32, #tpu.memory_space<vmem>>) offsets(%dma_start3A_225 : memref<64xi32, #tpu.memory_space<vmem>>) semaphore(%arg13 : memref<!tpu.dma_semaphore, #tpu.memory_space<semaphore_mem>>)
    %dma_wait3A_229 = arith.constant 1 : i32
    %dma_wait3A_230 = arith.constant 1 : i32
    %dma_wait3A_231 = arith.constant 0 : i32
    %dma_wait3A_232 = arith.constant 0 : i32
    %dma_wait3A_233 = tpu.memref_slice %arg8[%dma_wait3A_230, %dma_wait3A_231, %dma_wait3A_232] : memref<2x64x64xf32, #tpu.memory_space<vmem>> -> memref<1x64x64xf32, #tpu.memory_space<vmem>>
    %dma_wait3A_234 = tpu.memref_squeeze %dma_wait3A_233 : memref<1x64x64xf32, #tpu.memory_space<vmem>> -> memref<64x64xf32, #tpu.memory_space<vmem>>
    %dma_wait3A_235 = arith.constant 0 : i32
    %dma_wait3A_236 = tpu.memref_slice %arg7[%dma_wait3A_229, %dma_wait3A_235] : memref<2x64xi32, #tpu.memory_space<vmem>> -> memref<1x64xi32, #tpu.memory_space<vmem>>
    %dma_wait3A_237 = tpu.memref_squeeze %dma_wait3A_236 : memref<1x64xi32, #tpu.memory_space<vmem>> -> memref<64xi32, #tpu.memory_space<vmem>>
    %dma_wait3A_238 = arith.constant 0 : i32
    %dma_wait3A_239 = arith.constant 0 : i32
    %dma_wait3A_240 = tpu.memref_slice %arg2[%dma_wait3A_238, %dma_wait3A_239] : memref<16384x64xf32, #tpu.memory_space<hbm>> -> memref<16384x64xf32, #tpu.memory_space<hbm>>
    tpu.wait_indirect_dma semaphore(%arg13 : memref<!tpu.dma_semaphore, #tpu.memory_space<semaphore_mem>>) src(%dma_wait3A_240 : memref<16384x64xf32, #tpu.memory_space<hbm>>) dst(%dma_wait3A_234 : memref<64x64xf32, #tpu.memory_space<vmem>>)
    %dma_start3A_241 = arith.constant 1 : i32
    %dma_start3A_242 = arith.constant 0 : i32
    %dma_start3A_243 = arith.constant 0 : i32
    %dma_start3A_244 = tpu.memref_slice %arg8[%dma_start3A_241, %dma_start3A_242, %dma_start3A_243] : memref<2x64x64xf32, #tpu.memory_space<vmem>> -> memref<1x64x64xf32, #tpu.memory_space<vmem>>
    %dma_start3A_245 = tpu.memref_squeeze %dma_start3A_244 : memref<1x64x64xf32, #tpu.memory_space<vmem>> -> memref<64x64xf32, #tpu.memory_space<vmem>>
    %dma_start3A_246 = arith.constant 0 : i32
    %dma_start3A_247 = tpu.memref_slice %arg4[%add3A_142, %dma_start3A_246] : memref<16384x64xf32, #tpu.memory_space<hbm>> -> memref<64x64xf32, #tpu.memory_space<hbm>>
    %dma_start3A_248 = arith.constant 0 : i32
    %dma_start3A_249 = tpu.memref_slice %arg4[%add3A_142, %dma_start3A_248] : memref<16384x64xf32, #tpu.memory_space<hbm>> -> memref<64x64xf32, #tpu.memory_space<hbm>>
    %dma_start3A_250 = arith.constant 0 : i32
    %dma_start3A_251 = arith.constant 0 : i32
    %dma_start3A_252 = tpu.memref_slice %arg8[%dma_start3A_241, %dma_start3A_250, %dma_start3A_251] : memref<2x64x64xf32, #tpu.memory_space<vmem>> -> memref<1x64x64xf32, #tpu.memory_space<vmem>>
    %dma_start3A_253 = tpu.memref_squeeze %dma_start3A_252 : memref<1x64x64xf32, #tpu.memory_space<vmem>> -> memref<64x64xf32, #tpu.memory_space<vmem>>
    tpu.enqueue_dma source(%dma_start3A_253 : memref<64x64xf32, #tpu.memory_space<vmem>>) target(%dma_start3A_249 : memref<64x64xf32, #tpu.memory_space<hbm>>) target_semaphore(%arg15 : memref<!tpu.dma_semaphore, #tpu.memory_space<semaphore_mem>>)
    %mul3A_254 = arith.constant 512 : i32
    %mul3A_255 = arith.muli %add3A, %mul3A_254 : i32
    %add3A_256 = arith.constant 128 : i32
    %add3A_257 = arith.addi %mul3A_255, %add3A_256 : i32
    %dma_wait3A_258 = arith.constant 0 : i32
    %dma_wait3A_259 = arith.constant 0 : i32
    %dma_wait3A_260 = tpu.memref_slice %arg7[%dma_wait3A_258, %dma_wait3A_259] : memref<2x64xi32, #tpu.memory_space<vmem>> -> memref<1x64xi32, #tpu.memory_space<vmem>>
    %dma_wait3A_261 = tpu.memref_squeeze %dma_wait3A_260 : memref<1x64xi32, #tpu.memory_space<vmem>> -> memref<64xi32, #tpu.memory_space<vmem>>
    %dma_wait3A_262 = tpu.memref_slice %arg5[%add3A_209] : memref<16384xi32, #tpu.memory_space<vmem>> -> memref<64xi32, #tpu.memory_space<vmem>>
    %dma_wait3A_263 = arith.constant 0 : i32
    %dma_wait3A_264 = tpu.memref_slice %arg9[%dma_wait3A_263] : memref<1048576xi32, #tpu.memory_space<vmem_shared>> -> memref<1048576xi32, #tpu.memory_space<vmem_shared>>
    tpu.wait_indirect_dma semaphore(%arg10 : memref<!tpu.dma_semaphore, #tpu.memory_space<semaphore_mem>>) src(%dma_wait3A_264 : memref<1048576xi32, #tpu.memory_space<vmem_shared>>) dst(%dma_wait3A_261 : memref<64xi32, #tpu.memory_space<vmem>>)
    %get3A_265 = arith.constant 0 : i32
    %get3A_266 = arith.index_cast %get3A_265 : i32 to index
    %get3A_267 = arith.constant 0 : index
    %get3A_268 = tpu.vector_load %arg7[%get3A_266, %get3A_267] {strides = array<i32>} : memref<2x64xi32, #tpu.memory_space<vmem>>, vector<16xi32>,
    %jit3A_269 = arith.constant 0 : i32
    %jit3A_270 = arith.constant 16383 : i32
    %max3A_271 = vector.broadcast %jit3A_269 : i32 to vector<16xi32>
    %max3A_272 = arith.maxsi %max3A_271, %get3A_268 : vector<16xi32>
    %min3A_273 = vector.broadcast %jit3A_270 : i32 to vector<16xi32>
    %min3A_274 = arith.minsi %min3A_273, %max3A_272 : vector<16xi32>
    %swap3A_275 = arith.constant 0 : i32
    %swap3A_276 = arith.index_cast %swap3A_275 : i32 to index
    %swap3A_277 = arith.constant 0 : index
    %swap3A_278 = tpu.vector_load %arg7[%swap3A_276, %swap3A_277] {strides = array<i32>} : memref<2x64xi32, #tpu.memory_space<vmem>>, vector<16xi32>,
    tpu.vector_store %arg7[%swap3A_276, %swap3A_277], %min3A_274 {strides = array<i32>} : memref<2x64xi32, #tpu.memory_space<vmem>>, vector<16xi32>,
    %get3A_279 = arith.constant 0 : i32
    %get3A_280 = arith.index_cast %get3A_279 : i32 to index
    %get3A_281 = arith.constant 16 : index
    %get3A_282 = tpu.vector_load %arg7[%get3A_280, %get3A_281] {strides = array<i32>} : memref<2x64xi32, #tpu.memory_space<vmem>>, vector<16xi32>,
    %jit3A_283 = arith.constant 0 : i32
    %jit3A_284 = arith.constant 16383 : i32
    %max3A_285 = vector.broadcast %jit3A_283 : i32 to vector<16xi32>
    %max3A_286 = arith.maxsi %max3A_285, %get3A_282 : vector<16xi32>
    %min3A_287 = vector.broadcast %jit3A_284 : i32 to vector<16xi32>
    %min3A_288 = arith.minsi %min3A_287, %max3A_286 : vector<16xi32>
    %swap3A_289 = arith.constant 0 : i32
    %swap3A_290 = arith.index_cast %swap3A_289 : i32 to index
    %swap3A_291 = arith.constant 16 : index
    %swap3A_292 = tpu.vector_load %arg7[%swap3A_290, %swap3A_291] {strides = array<i32>} : memref<2x64xi32, #tpu.memory_space<vmem>>, vector<16xi32>,
    tpu.vector_store %arg7[%swap3A_290, %swap3A_291], %min3A_288 {strides = array<i32>} : memref<2x64xi32, #tpu.memory_space<vmem>>, vector<16xi32>,
    %get3A_293 = arith.constant 0 : i32
    %get3A_294 = arith.index_cast %get3A_293 : i32 to index
    %get3A_295 = arith.constant 32 : index
    %get3A_296 = tpu.vector_load %arg7[%get3A_294, %get3A_295] {strides = array<i32>} : memref<2x64xi32, #tpu.memory_space<vmem>>, vector<16xi32>,
    %jit3A_297 = arith.constant 0 : i32
    %jit3A_298 = arith.constant 16383 : i32
    %max3A_299 = vector.broadcast %jit3A_297 : i32 to vector<16xi32>
    %max3A_300 = arith.maxsi %max3A_299, %get3A_296 : vector<16xi32>
    %min3A_301 = vector.broadcast %jit3A_298 : i32 to vector<16xi32>
    %min3A_302 = arith.minsi %min3A_301, %max3A_300 : vector<16xi32>
    %swap3A_303 = arith.constant 0 : i32
    %swap3A_304 = arith.index_cast %swap3A_303 : i32 to index
    %swap3A_305 = arith.constant 32 : index
    %swap3A_306 = tpu.vector_load %arg7[%swap3A_304, %swap3A_305] {strides = array<i32>} : memref<2x64xi32, #tpu.memory_space<vmem>>, vector<16xi32>,
    tpu.vector_store %arg7[%swap3A_304, %swap3A_305], %min3A_302 {strides = array<i32>} : memref<2x64xi32, #tpu.memory_space<vmem>>, vector<16xi32>,
    %get3A_307 = arith.constant 0 : i32
    %get3A_308 = arith.index_cast %get3A_307 : i32 to index
    %get3A_309 = arith.constant 48 : index
    %get3A_310 = tpu.vector_load %arg7[%get3A_308, %get3A_309] {strides = array<i32>} : memref<2x64xi32, #tpu.memory_space<vmem>>, vector<16xi32>,
    %jit3A_311 = arith.constant 0 : i32
    %jit3A_312 = arith.constant 16383 : i32
    %max3A_313 = vector.broadcast %jit3A_311 : i32 to vector<16xi32>
    %max3A_314 = arith.maxsi %max3A_313, %get3A_310 : vector<16xi32>
    %min3A_315 = vector.broadcast %jit3A_312 : i32 to vector<16xi32>
    %min3A_316 = arith.minsi %min3A_315, %max3A_314 : vector<16xi32>
    %swap3A_317 = arith.constant 0 : i32
    %swap3A_318 = arith.index_cast %swap3A_317 : i32 to index
    %swap3A_319 = arith.constant 48 : index
    %swap3A_320 = tpu.vector_load %arg7[%swap3A_318, %swap3A_319] {strides = array<i32>} : memref<2x64xi32, #tpu.memory_space<vmem>>, vector<16xi32>,
    tpu.vector_store %arg7[%swap3A_318, %swap3A_319], %min3A_316 {strides = array<i32>} : memref<2x64xi32, #tpu.memory_space<vmem>>, vector<16xi32>,
    %mul3A_321 = arith.constant 512 : i32
    %mul3A_322 = arith.muli %add3A, %mul3A_321 : i32
    %add3A_323 = arith.constant 192 : i32
    %add3A_324 = arith.addi %mul3A_322, %add3A_323 : i32
    %dma_start3A_325 = arith.constant 1 : i32
    %dma_start3A_326 = arith.constant 0 : i32
    %dma_start3A_327 = tpu.memref_slice %arg7[%dma_start3A_325, %dma_start3A_326] : memref<2x64xi32, #tpu.memory_space<vmem>> -> memref<1x64xi32, #tpu.memory_space<vmem>>
    %dma_start3A_328 = tpu.memref_squeeze %dma_start3A_327 : memref<1x64xi32, #tpu.memory_space<vmem>> -> memref<64xi32, #tpu.memory_space<vmem>>
    %dma_start3A_329 = tpu.memref_slice %arg5[%add3A_324] : memref<16384xi32, #tpu.memory_space<vmem>> -> memref<64xi32, #tpu.memory_space<vmem>>
    %dma_start3A_330 = arith.constant 0 : i32
    %dma_start3A_331 = tpu.memref_slice %arg9[%dma_start3A_330] : memref<1048576xi32, #tpu.memory_space<vmem_shared>> -> memref<1048576xi32, #tpu.memory_space<vmem_shared>>
    tpu.enqueue_indirect_dma source(%dma_start3A_331 : memref<1048576xi32, #tpu.memory_space<vmem_shared>>) target(%dma_start3A_328 : memref<64xi32, #tpu.memory_space<vmem>>) offsets(%dma_start3A_329 : memref<64xi32, #tpu.memory_space<vmem>>) semaphore(%arg11 : memref<!tpu.dma_semaphore, #tpu.memory_space<semaphore_mem>>)
    %dma_wait3A_332 = arith.constant 0 : i32
    %dma_wait3A_333 = arith.constant 0 : i32
    %dma_wait3A_334 = arith.constant 0 : i32
    %dma_wait3A_335 = tpu.memref_slice %arg8[%dma_wait3A_332, %dma_wait3A_333, %dma_wait3A_334] : memref<2x64x64xf32, #tpu.memory_space<vmem>> -> memref<1x64x64xf32, #tpu.memory_space<vmem>>
    %dma_wait3A_336 = tpu.memref_squeeze %dma_wait3A_335 : memref<1x64x64xf32, #tpu.memory_space<vmem>> -> memref<64x64xf32, #tpu.memory_space<vmem>>
    %dma_wait3A_337 = arith.constant 0 : i32
    %dma_wait3A_338 = tpu.memref_slice %arg4[%add3A_33, %dma_wait3A_337] : memref<16384x64xf32, #tpu.memory_space<hbm>> -> memref<64x64xf32, #tpu.memory_space<hbm>>
    %dma_wait3A_339 = arith.constant 0 : i32
    %dma_wait3A_340 = tpu.memref_slice %arg4[%add3A_33, %dma_wait3A_339] : memref<16384x64xf32, #tpu.memory_space<hbm>> -> memref<64x64xf32, #tpu.memory_space<hbm>>
    %dma_wait3A_341 = arith.constant 0 : i32
    %dma_wait3A_342 = arith.constant 0 : i32
    %dma_wait3A_343 = tpu.memref_slice %arg8[%dma_wait3A_332, %dma_wait3A_341, %dma_wait3A_342] : memref<2x64x64xf32, #tpu.memory_space<vmem>> -> memref<1x64x64xf32, #tpu.memory_space<vmem>>
    %dma_wait3A_344 = tpu.memref_squeeze %dma_wait3A_343 : memref<1x64x64xf32, #tpu.memory_space<vmem>> -> memref<64x64xf32, #tpu.memory_space<vmem>>
    tpu.wait_dma2 semaphore(%arg14 : memref<!tpu.dma_semaphore, #tpu.memory_space<semaphore_mem>>) src(%dma_wait3A_344 : memref<64x64xf32, #tpu.memory_space<vmem>>) dst(%dma_wait3A_340 : memref<64x64xf32, #tpu.memory_space<hbm>>)
    %dma_start3A_345 = arith.constant 0 : i32
    %dma_start3A_346 = arith.constant 0 : i32
    %dma_start3A_347 = arith.constant 0 : i32
    %dma_start3A_348 = arith.constant 0 : i32
    %dma_start3A_349 = tpu.memref_slice %arg8[%dma_start3A_346, %dma_start3A_347, %dma_start3A_348] : memref<2x64x64xf32, #tpu.memory_space<vmem>> -> memref<1x64x64xf32, #tpu.memory_space<vmem>>
    %dma_start3A_350 = tpu.memref_squeeze %dma_start3A_349 : memref<1x64x64xf32, #tpu.memory_space<vmem>> -> memref<64x64xf32, #tpu.memory_space<vmem>>
    %dma_start3A_351 = arith.constant 0 : i32
    %dma_start3A_352 = tpu.memref_slice %arg7[%dma_start3A_345, %dma_start3A_351] : memref<2x64xi32, #tpu.memory_space<vmem>> -> memref<1x64xi32, #tpu.memory_space<vmem>>
    %dma_start3A_353 = tpu.memref_squeeze %dma_start3A_352 : memref<1x64xi32, #tpu.memory_space<vmem>> -> memref<64xi32, #tpu.memory_space<vmem>>
    %dma_start3A_354 = arith.constant 0 : i32
    %dma_start3A_355 = arith.constant 0 : i32
    %dma_start3A_356 = tpu.memref_slice %arg2[%dma_start3A_354, %dma_start3A_355] : memref<16384x64xf32, #tpu.memory_space<hbm>> -> memref<16384x64xf32, #tpu.memory_space<hbm>>
    tpu.enqueue_indirect_dma source(%dma_start3A_356 : memref<16384x64xf32, #tpu.memory_space<hbm>>) target(%dma_start3A_350 : memref<64x64xf32, #tpu.memory_space<vmem>>) offsets(%dma_start3A_353 : memref<64xi32, #tpu.memory_space<vmem>>) semaphore(%arg12 : memref<!tpu.dma_semaphore, #tpu.memory_space<semaphore_mem>>)
    %dma_wait3A_357 = arith.constant 0 : i32
    %dma_wait3A_358 = arith.constant 0 : i32
    %dma_wait3A_359 = arith.constant 0 : i32
    %dma_wait3A_360 = arith.constant 0 : i32
    %dma_wait3A_361 = tpu.memref_slice %arg8[%dma_wait3A_358, %dma_wait3A_359, %dma_wait3A_360] : memref<2x64x64xf32, #tpu.memory_space<vmem>> -> memref<1x64x64xf32, #tpu.memory_space<vmem>>
    %dma_wait3A_362 = tpu.memref_squeeze %dma_wait3A_361 : memref<1x64x64xf32, #tpu.memory_space<vmem>> -> memref<64x64xf32, #tpu.memory_space<vmem>>
    %dma_wait3A_363 = arith.constant 0 : i32
    %dma_wait3A_364 = tpu.memref_slice %arg7[%dma_wait3A_357, %dma_wait3A_363] : memref<2x64xi32, #tpu.memory_space<vmem>> -> memref<1x64xi32, #tpu.memory_space<vmem>>
    %dma_wait3A_365 = tpu.memref_squeeze %dma_wait3A_364 : memref<1x64xi32, #tpu.memory_space<vmem>> -> memref<64xi32, #tpu.memory_space<vmem>>
    %dma_wait3A_366 = arith.constant 0 : i32
    %dma_wait3A_367 = arith.constant 0 : i32
    %dma_wait3A_368 = tpu.memref_slice %arg2[%dma_wait3A_366, %dma_wait3A_367] : memref<16384x64xf32, #tpu.memory_space<hbm>> -> memref<16384x64xf32, #tpu.memory_space<hbm>>
    tpu.wait_indirect_dma semaphore(%arg12 : memref<!tpu.dma_semaphore, #tpu.memory_space<semaphore_mem>>) src(%dma_wait3A_368 : memref<16384x64xf32, #tpu.memory_space<hbm>>) dst(%dma_wait3A_362 : memref<64x64xf32, #tpu.memory_space<vmem>>)
    %dma_start3A_369 = arith.constant 0 : i32
    %dma_start3A_370 = arith.constant 0 : i32
    %dma_start3A_371 = arith.constant 0 : i32
    %dma_start3A_372 = tpu.memref_slice %arg8[%dma_start3A_369, %dma_start3A_370, %dma_start3A_371] : memref<2x64x64xf32, #tpu.memory_space<vmem>> -> memref<1x64x64xf32, #tpu.memory_space<vmem>>
    %dma_start3A_373 = tpu.memref_squeeze %dma_start3A_372 : memref<1x64x64xf32, #tpu.memory_space<vmem>> -> memref<64x64xf32, #tpu.memory_space<vmem>>
    %dma_start3A_374 = arith.constant 0 : i32
    %dma_start3A_375 = tpu.memref_slice %arg4[%add3A_257, %dma_start3A_374] : memref<16384x64xf32, #tpu.memory_space<hbm>> -> memref<64x64xf32, #tpu.memory_space<hbm>>
    %dma_start3A_376 = arith.constant 0 : i32
    %dma_start3A_377 = tpu.memref_slice %arg4[%add3A_257, %dma_start3A_376] : memref<16384x64xf32, #tpu.memory_space<hbm>> -> memref<64x64xf32, #tpu.memory_space<hbm>>
    %dma_start3A_378 = arith.constant 0 : i32
    %dma_start3A_379 = arith.constant 0 : i32
    %dma_start3A_380 = tpu.memref_slice %arg8[%dma_start3A_369, %dma_start3A_378, %dma_start3A_379] : memref<2x64x64xf32, #tpu.memory_space<vmem>> -> memref<1x64x64xf32, #tpu.memory_space<vmem>>
    %dma_start3A_381 = tpu.memref_squeeze %dma_start3A_380 : memref<1x64x64xf32, #tpu.memory_space<vmem>> -> memref<64x64xf32, #tpu.memory_space<vmem>>
    tpu.enqueue_dma source(%dma_start3A_381 : memref<64x64xf32, #tpu.memory_space<vmem>>) target(%dma_start3A_377 : memref<64x64xf32, #tpu.memory_space<hbm>>) target_semaphore(%arg14 : memref<!tpu.dma_semaphore, #tpu.memory_space<semaphore_mem>>)
    %mul3A_382 = arith.constant 512 : i32
    %mul3A_383 = arith.muli %add3A, %mul3A_382 : i32
    %add3A_384 = arith.constant 192 : i32
    %add3A_385 = arith.addi %mul3A_383, %add3A_384 : i32
    %dma_wait3A_386 = arith.constant 1 : i32
    %dma_wait3A_387 = arith.constant 0 : i32
    %dma_wait3A_388 = tpu.memref_slice %arg7[%dma_wait3A_386, %dma_wait3A_387] : memref<2x64xi32, #tpu.memory_space<vmem>> -> memref<1x64xi32, #tpu.memory_space<vmem>>
    %dma_wait3A_389 = tpu.memref_squeeze %dma_wait3A_388 : memref<1x64xi32, #tpu.memory_space<vmem>> -> memref<64xi32, #tpu.memory_space<vmem>>
    %dma_wait3A_390 = tpu.memref_slice %arg5[%add3A_324] : memref<16384xi32, #tpu.memory_space<vmem>> -> memref<64xi32, #tpu.memory_space<vmem>>
    %dma_wait3A_391 = arith.constant 0 : i32
    %dma_wait3A_392 = tpu.memref_slice %arg9[%dma_wait3A_391] : memref<1048576xi32, #tpu.memory_space<vmem_shared>> -> memref<1048576xi32, #tpu.memory_space<vmem_shared>>
    tpu.wait_indirect_dma semaphore(%arg11 : memref<!tpu.dma_semaphore, #tpu.memory_space<semaphore_mem>>) src(%dma_wait3A_392 : memref<1048576xi32, #tpu.memory_space<vmem_shared>>) dst(%dma_wait3A_389 : memref<64xi32, #tpu.memory_space<vmem>>)
    %get3A_393 = arith.constant 1 : i32
    %get3A_394 = arith.index_cast %get3A_393 : i32 to index
    %get3A_395 = arith.constant 0 : index
    %get3A_396 = tpu.vector_load %arg7[%get3A_394, %get3A_395] {strides = array<i32>} : memref<2x64xi32, #tpu.memory_space<vmem>>, vector<16xi32>,
    %jit3A_397 = arith.constant 0 : i32
    %jit3A_398 = arith.constant 16383 : i32
    %max3A_399 = vector.broadcast %jit3A_397 : i32 to vector<16xi32>
    %max3A_400 = arith.maxsi %max3A_399, %get3A_396 : vector<16xi32>
    %min3A_401 = vector.broadcast %jit3A_398 : i32 to vector<16xi32>
    %min3A_402 = arith.minsi %min3A_401, %max3A_400 : vector<16xi32>
    %swap3A_403 = arith.constant 1 : i32
    %swap3A_404 = arith.index_cast %swap3A_403 : i32 to index
    %swap3A_405 = arith.constant 0 : index
    %swap3A_406 = tpu.vector_load %arg7[%swap3A_404, %swap3A_405] {strides = array<i32>} : memref<2x64xi32, #tpu.memory_space<vmem>>, vector<16xi32>,
    tpu.vector_store %arg7[%swap3A_404, %swap3A_405], %min3A_402 {strides = array<i32>} : memref<2x64xi32, #tpu.memory_space<vmem>>, vector<16xi32>,
    %get3A_407 = arith.constant 1 : i32
    %get3A_408 = arith.index_cast %get3A_407 : i32 to index
    %get3A_409 = arith.constant 16 : index
    %get3A_410 = tpu.vector_load %arg7[%get3A_408, %get3A_409] {strides = array<i32>} : memref<2x64xi32, #tpu.memory_space<vmem>>, vector<16xi32>,
    %jit3A_411 = arith.constant 0 : i32
    %jit3A_412 = arith.constant 16383 : i32
    %max3A_413 = vector.broadcast %jit3A_411 : i32 to vector<16xi32>
    %max3A_414 = arith.maxsi %max3A_413, %get3A_410 : vector<16xi32>
    %min3A_415 = vector.broadcast %jit3A_412 : i32 to vector<16xi32>
    %min3A_416 = arith.minsi %min3A_415, %max3A_414 : vector<16xi32>
    %swap3A_417 = arith.constant 1 : i32
    %swap3A_418 = arith.index_cast %swap3A_417 : i32 to index
    %swap3A_419 = arith.constant 16 : index
    %swap3A_420 = tpu.vector_load %arg7[%swap3A_418, %swap3A_419] {strides = array<i32>} : memref<2x64xi32, #tpu.memory_space<vmem>>, vector<16xi32>,
    tpu.vector_store %arg7[%swap3A_418, %swap3A_419], %min3A_416 {strides = array<i32>} : memref<2x64xi32, #tpu.memory_space<vmem>>, vector<16xi32>,
    %get3A_421 = arith.constant 1 : i32
    %get3A_422 = arith.index_cast %get3A_421 : i32 to index
    %get3A_423 = arith.constant 32 : index
    %get3A_424 = tpu.vector_load %arg7[%get3A_422, %get3A_423] {strides = array<i32>} : memref<2x64xi32, #tpu.memory_space<vmem>>, vector<16xi32>,
    %jit3A_425 = arith.constant 0 : i32
    %jit3A_426 = arith.constant 16383 : i32
    %max3A_427 = vector.broadcast %jit3A_425 : i32 to vector<16xi32>
    %max3A_428 = arith.maxsi %max3A_427, %get3A_424 : vector<16xi32>
    %min3A_429 = vector.broadcast %jit3A_426 : i32 to vector<16xi32>
    %min3A_430 = arith.minsi %min3A_429, %max3A_428 : vector<16xi32>
    %swap3A_431 = arith.constant 1 : i32
    %swap3A_432 = arith.index_cast %swap3A_431 : i32 to index
    %swap3A_433 = arith.constant 32 : index
    %swap3A_434 = tpu.vector_load %arg7[%swap3A_432, %swap3A_433] {strides = array<i32>} : memref<2x64xi32, #tpu.memory_space<vmem>>, vector<16xi32>,
    tpu.vector_store %arg7[%swap3A_432, %swap3A_433], %min3A_430 {strides = array<i32>} : memref<2x64xi32, #tpu.memory_space<vmem>>, vector<16xi32>,
    %get3A_435 = arith.constant 1 : i32
    %get3A_436 = arith.index_cast %get3A_435 : i32 to index
    %get3A_437 = arith.constant 48 : index
    %get3A_438 = tpu.vector_load %arg7[%get3A_436, %get3A_437] {strides = array<i32>} : memref<2x64xi32, #tpu.memory_space<vmem>>, vector<16xi32>,
    %jit3A_439 = arith.constant 0 : i32
    %jit3A_440 = arith.constant 16383 : i32
    %max3A_441 = vector.broadcast %jit3A_439 : i32 to vector<16xi32>
    %max3A_442 = arith.maxsi %max3A_441, %get3A_438 : vector<16xi32>
    %min3A_443 = vector.broadcast %jit3A_440 : i32 to vector<16xi32>
    %min3A_444 = arith.minsi %min3A_443, %max3A_442 : vector<16xi32>
    %swap3A_445 = arith.constant 1 : i32
    %swap3A_446 = arith.index_cast %swap3A_445 : i32 to index
    %swap3A_447 = arith.constant 48 : index
    %swap3A_448 = tpu.vector_load %arg7[%swap3A_446, %swap3A_447] {strides = array<i32>} : memref<2x64xi32, #tpu.memory_space<vmem>>, vector<16xi32>,
    tpu.vector_store %arg7[%swap3A_446, %swap3A_447], %min3A_444 {strides = array<i32>} : memref<2x64xi32, #tpu.memory_space<vmem>>, vector<16xi32>,
    %mul3A_449 = arith.constant 512 : i32
    %mul3A_450 = arith.muli %add3A, %mul3A_449 : i32
    %add3A_451 = arith.constant 256 : i32
    %add3A_452 = arith.addi %mul3A_450, %add3A_451 : i32
    %dma_start3A_453 = arith.constant 0 : i32
    %dma_start3A_454 = arith.constant 0 : i32
    %dma_start3A_455 = tpu.memref_slice %arg7[%dma_start3A_453, %dma_start3A_454] : memref<2x64xi32, #tpu.memory_space<vmem>> -> memref<1x64xi32, #tpu.memory_space<vmem>>
    %dma_start3A_456 = tpu.memref_squeeze %dma_start3A_455 : memref<1x64xi32, #tpu.memory_space<vmem>> -> memref<64xi32, #tpu.memory_space<vmem>>
    %dma_start3A_457 = tpu.memref_slice %arg5[%add3A_452] : memref<16384xi32, #tpu.memory_space<vmem>> -> memref<64xi32, #tpu.memory_space<vmem>>
    %dma_start3A_458 = arith.constant 0 : i32
    %dma_start3A_459 = tpu.memref_slice %arg9[%dma_start3A_458] : memref<1048576xi32, #tpu.memory_space<vmem_shared>> -> memref<1048576xi32, #tpu.memory_space<vmem_shared>>
    tpu.enqueue_indirect_dma source(%dma_start3A_459 : memref<1048576xi32, #tpu.memory_space<vmem_shared>>) target(%dma_start3A_456 : memref<64xi32, #tpu.memory_space<vmem>>) offsets(%dma_start3A_457 : memref<64xi32, #tpu.memory_space<vmem>>) semaphore(%arg10 : memref<!tpu.dma_semaphore, #tpu.memory_space<semaphore_mem>>)
    %dma_wait3A_460 = arith.constant 1 : i32
    %dma_wait3A_461 = arith.constant 0 : i32
    %dma_wait3A_462 = arith.constant 0 : i32
    %dma_wait3A_463 = tpu.memref_slice %arg8[%dma_wait3A_460, %dma_wait3A_461, %dma_wait3A_462] : memref<2x64x64xf32, #tpu.memory_space<vmem>> -> memref<1x64x64xf32, #tpu.memory_space<vmem>>
    %dma_wait3A_464 = tpu.memref_squeeze %dma_wait3A_463 : memref<1x64x64xf32, #tpu.memory_space<vmem>> -> memref<64x64xf32, #tpu.memory_space<vmem>>
    %dma_wait3A_465 = arith.constant 0 : i32
    %dma_wait3A_466 = tpu.memref_slice %arg4[%add3A_142, %dma_wait3A_465] : memref<16384x64xf32, #tpu.memory_space<hbm>> -> memref<64x64xf32, #tpu.memory_space<hbm>>
    %dma_wait3A_467 = arith.constant 0 : i32
    %dma_wait3A_468 = tpu.memref_slice %arg4[%add3A_142, %dma_wait3A_467] : memref<16384x64xf32, #tpu.memory_space<hbm>> -> memref<64x64xf32, #tpu.memory_space<hbm>>
    %dma_wait3A_469 = arith.constant 0 : i32
    %dma_wait3A_470 = arith.constant 0 : i32
    %dma_wait3A_471 = tpu.memref_slice %arg8[%dma_wait3A_460, %dma_wait3A_469, %dma_wait3A_470] : memref<2x64x64xf32, #tpu.memory_space<vmem>> -> memref<1x64x64xf32, #tpu.memory_space<vmem>>
    %dma_wait3A_472 = tpu.memref_squeeze %dma_wait3A_471 : memref<1x64x64xf32, #tpu.memory_space<vmem>> -> memref<64x64xf32, #tpu.memory_space<vmem>>
    tpu.wait_dma2 semaphore(%arg15 : memref<!tpu.dma_semaphore, #tpu.memory_space<semaphore_mem>>) src(%dma_wait3A_472 : memref<64x64xf32, #tpu.memory_space<vmem>>) dst(%dma_wait3A_468 : memref<64x64xf32, #tpu.memory_space<hbm>>)
    %dma_start3A_473 = arith.constant 1 : i32
    %dma_start3A_474 = arith.constant 1 : i32
    %dma_start3A_475 = arith.constant 0 : i32
    %dma_start3A_476 = arith.constant 0 : i32
    %dma_start3A_477 = tpu.memref_slice %arg8[%dma_start3A_474, %dma_start3A_475, %dma_start3A_476] : memref<2x64x64xf32, #tpu.memory_space<vmem>> -> memref<1x64x64xf32, #tpu.memory_space<vmem>>
    %dma_start3A_478 = tpu.memref_squeeze %dma_start3A_477 : memref<1x64x64xf32, #tpu.memory_space<vmem>> -> memref<64x64xf32, #tpu.memory_space<vmem>>
    %dma_start3A_479 = arith.constant 0 : i32
    %dma_start3A_480 = tpu.memref_slice %arg7[%dma_start3A_473, %dma_start3A_479] : memref<2x64xi32, #tpu.memory_space<vmem>> -> memref<1x64xi32, #tpu.memory_space<vmem>>
    %dma_start3A_481 = tpu.memref_squeeze %dma_start3A_480 : memref<1x64xi32, #tpu.memory_space<vmem>> -> memref<64xi32, #tpu.memory_space<vmem>>
    %dma_start3A_482 = arith.constant 0 : i32
    %dma_start3A_483 = arith.constant 0 : i32
    %dma_start3A_484 = tpu.memref_slice %arg2[%dma_start3A_482, %dma_start3A_483] : memref<16384x64xf32, #tpu.memory_space<hbm>> -> memref<16384x64xf32, #tpu.memory_space<hbm>>
    tpu.enqueue_indirect_dma source(%dma_start3A_484 : memref<16384x64xf32, #tpu.memory_space<hbm>>) target(%dma_start3A_478 : memref<64x64xf32, #tpu.memory_space<vmem>>) offsets(%dma_start3A_481 : memref<64xi32, #tpu.memory_space<vmem>>) semaphore(%arg13 : memref<!tpu.dma_semaphore, #tpu.memory_space<semaphore_mem>>)
    %dma_wait3A_485 = arith.constant 1 : i32
    %dma_wait3A_486 = arith.constant 1 : i32
    %dma_wait3A_487 = arith.constant 0 : i32
    %dma_wait3A_488 = arith.constant 0 : i32
    %dma_wait3A_489 = tpu.memref_slice %arg8[%dma_wait3A_486, %dma_wait3A_487, %dma_wait3A_488] : memref<2x64x64xf32, #tpu.memory_space<vmem>> -> memref<1x64x64xf32, #tpu.memory_space<vmem>>
    %dma_wait3A_490 = tpu.memref_squeeze %dma_wait3A_489 : memref<1x64x64xf32, #tpu.memory_space<vmem>> -> memref<64x64xf32, #tpu.memory_space<vmem>>
    %dma_wait3A_491 = arith.constant 0 : i32
    %dma_wait3A_492 = tpu.memref_slice %arg7[%dma_wait3A_485, %dma_wait3A_491] : memref<2x64xi32, #tpu.memory_space<vmem>> -> memref<1x64xi32, #tpu.memory_space<vmem>>
    %dma_wait3A_493 = tpu.memref_squeeze %dma_wait3A_492 : memref<1x64xi32, #tpu.memory_space<vmem>> -> memref<64xi32, #tpu.memory_space<vmem>>
    %dma_wait3A_494 = arith.constant 0 : i32
    %dma_wait3A_495 = arith.constant 0 : i32
    %dma_wait3A_496 = tpu.memref_slice %arg2[%dma_wait3A_494, %dma_wait3A_495] : memref<16384x64xf32, #tpu.memory_space<hbm>> -> memref<16384x64xf32, #tpu.memory_space<hbm>>
    tpu.wait_indirect_dma semaphore(%arg13 : memref<!tpu.dma_semaphore, #tpu.memory_space<semaphore_mem>>) src(%dma_wait3A_496 : memref<16384x64xf32, #tpu.memory_space<hbm>>) dst(%dma_wait3A_490 : memref<64x64xf32, #tpu.memory_space<vmem>>)
    %dma_start3A_497 = arith.constant 1 : i32
    %dma_start3A_498 = arith.constant 0 : i32
    %dma_start3A_499 = arith.constant 0 : i32
    %dma_start3A_500 = tpu.memref_slice %arg8[%dma_start3A_497, %dma_start3A_498, %dma_start3A_499] : memref<2x64x64xf32, #tpu.memory_space<vmem>> -> memref<1x64x64xf32, #tpu.memory_space<vmem>>
    %dma_start3A_501 = tpu.memref_squeeze %dma_start3A_500 : memref<1x64x64xf32, #tpu.memory_space<vmem>> -> memref<64x64xf32, #tpu.memory_space<vmem>>
    %dma_start3A_502 = arith.constant 0 : i32
    %dma_start3A_503 = tpu.memref_slice %arg4[%add3A_385, %dma_start3A_502] : memref<16384x64xf32, #tpu.memory_space<hbm>> -> memref<64x64xf32, #tpu.memory_space<hbm>>
    %dma_start3A_504 = arith.constant 0 : i32
    %dma_start3A_505 = tpu.memref_slice %arg4[%add3A_385, %dma_start3A_504] : memref<16384x64xf32, #tpu.memory_space<hbm>> -> memref<64x64xf32, #tpu.memory_space<hbm>>
    %dma_start3A_506 = arith.constant 0 : i32
    %dma_start3A_507 = arith.constant 0 : i32
    %dma_start3A_508 = tpu.memref_slice %arg8[%dma_start3A_497, %dma_start3A_506, %dma_start3A_507] : memref<2x64x64xf32, #tpu.memory_space<vmem>> -> memref<1x64x64xf32, #tpu.memory_space<vmem>>
    %dma_start3A_509 = tpu.memref_squeeze %dma_start3A_508 : memref<1x64x64xf32, #tpu.memory_space<vmem>> -> memref<64x64xf32, #tpu.memory_space<vmem>>
    tpu.enqueue_dma source(%dma_start3A_509 : memref<64x64xf32, #tpu.memory_space<vmem>>) target(%dma_start3A_505 : memref<64x64xf32, #tpu.memory_space<hbm>>) target_semaphore(%arg15 : memref<!tpu.dma_semaphore, #tpu.memory_space<semaphore_mem>>)
    %mul3A_510 = arith.constant 512 : i32
    %mul3A_511 = arith.muli %add3A, %mul3A_510 : i32
    %add3A_512 = arith.constant 256 : i32
    %add3A_513 = arith.addi %mul3A_511, %add3A_512 : i32
    %dma_wait3A_514 = arith.constant 0 : i32
    %dma_wait3A_515 = arith.constant 0 : i32
    %dma_wait3A_516 = tpu.memref_slice %arg7[%dma_wait3A_514, %dma_wait3A_515] : memref<2x64xi32, #tpu.memory_space<vmem>> -> memref<1x64xi32, #tpu.memory_space<vmem>>
    %dma_wait3A_517 = tpu.memref_squeeze %dma_wait3A_516 : memref<1x64xi32, #tpu.memory_space<vmem>> -> memref<64xi32, #tpu.memory_space<vmem>>
    %dma_wait3A_518 = tpu.memref_slice %arg5[%add3A_452] : memref<16384xi32, #tpu.memory_space<vmem>> -> memref<64xi32, #tpu.memory_space<vmem>>
    %dma_wait3A_519 = arith.constant 0 : i32
    %dma_wait3A_520 = tpu.memref_slice %arg9[%dma_wait3A_519] : memref<1048576xi32, #tpu.memory_space<vmem_shared>> -> memref<1048576xi32, #tpu.memory_space<vmem_shared>>
    tpu.wait_indirect_dma semaphore(%arg10 : memref<!tpu.dma_semaphore, #tpu.memory_space<semaphore_mem>>) src(%dma_wait3A_520 : memref<1048576xi32, #tpu.memory_space<vmem_shared>>) dst(%dma_wait3A_517 : memref<64xi32, #tpu.memory_space<vmem>>)
    %get3A_521 = arith.constant 0 : i32
    %get3A_522 = arith.index_cast %get3A_521 : i32 to index
    %get3A_523 = arith.constant 0 : index
    %get3A_524 = tpu.vector_load %arg7[%get3A_522, %get3A_523] {strides = array<i32>} : memref<2x64xi32, #tpu.memory_space<vmem>>, vector<16xi32>,
    %jit3A_525 = arith.constant 0 : i32
    %jit3A_526 = arith.constant 16383 : i32
    %max3A_527 = vector.broadcast %jit3A_525 : i32 to vector<16xi32>
    %max3A_528 = arith.maxsi %max3A_527, %get3A_524 : vector<16xi32>
    %min3A_529 = vector.broadcast %jit3A_526 : i32 to vector<16xi32>
    %min3A_530 = arith.minsi %min3A_529, %max3A_528 : vector<16xi32>
    %swap3A_531 = arith.constant 0 : i32
    %swap3A_532 = arith.index_cast %swap3A_531 : i32 to index
    %swap3A_533 = arith.constant 0 : index
    %swap3A_534 = tpu.vector_load %arg7[%swap3A_532, %swap3A_533] {strides = array<i32>} : memref<2x64xi32, #tpu.memory_space<vmem>>, vector<16xi32>,
    tpu.vector_store %arg7[%swap3A_532, %swap3A_533], %min3A_530 {strides = array<i32>} : memref<2x64xi32, #tpu.memory_space<vmem>>, vector<16xi32>,
    %get3A_535 = arith.constant 0 : i32
    %get3A_536 = arith.index_cast %get3A_535 : i32 to index
    %get3A_537 = arith.constant 16 : index
    %get3A_538 = tpu.vector_load %arg7[%get3A_536, %get3A_537] {strides = array<i32>} : memref<2x64xi32, #tpu.memory_space<vmem>>, vector<16xi32>,
    %jit3A_539 = arith.constant 0 : i32
    %jit3A_540 = arith.constant 16383 : i32
    %max3A_541 = vector.broadcast %jit3A_539 : i32 to vector<16xi32>
    %max3A_542 = arith.maxsi %max3A_541, %get3A_538 : vector<16xi32>
    %min3A_543 = vector.broadcast %jit3A_540 : i32 to vector<16xi32>
    %min3A_544 = arith.minsi %min3A_543, %max3A_542 : vector<16xi32>
    %swap3A_545 = arith.constant 0 : i32
    %swap3A_546 = arith.index_cast %swap3A_545 : i32 to index
    %swap3A_547 = arith.constant 16 : index
    %swap3A_548 = tpu.vector_load %arg7[%swap3A_546, %swap3A_547] {strides = array<i32>} : memref<2x64xi32, #tpu.memory_space<vmem>>, vector<16xi32>,
    tpu.vector_store %arg7[%swap3A_546, %swap3A_547], %min3A_544 {strides = array<i32>} : memref<2x64xi32, #tpu.memory_space<vmem>>, vector<16xi32>,
    %get3A_549 = arith.constant 0 : i32
    %get3A_550 = arith.index_cast %get3A_549 : i32 to index
    %get3A_551 = arith.constant 32 : index
    %get3A_552 = tpu.vector_load %arg7[%get3A_550, %get3A_551] {strides = array<i32>} : memref<2x64xi32, #tpu.memory_space<vmem>>, vector<16xi32>,
    %jit3A_553 = arith.constant 0 : i32
    %jit3A_554 = arith.constant 16383 : i32
    %max3A_555 = vector.broadcast %jit3A_553 : i32 to vector<16xi32>
    %max3A_556 = arith.maxsi %max3A_555, %get3A_552 : vector<16xi32>
    %min3A_557 = vector.broadcast %jit3A_554 : i32 to vector<16xi32>
    %min3A_558 = arith.minsi %min3A_557, %max3A_556 : vector<16xi32>
    %swap3A_559 = arith.constant 0 : i32
    %swap3A_560 = arith.index_cast %swap3A_559 : i32 to index
    %swap3A_561 = arith.constant 32 : index
    %swap3A_562 = tpu.vector_load %arg7[%swap3A_560, %swap3A_561] {strides = array<i32>} : memref<2x64xi32, #tpu.memory_space<vmem>>, vector<16xi32>,
    tpu.vector_store %arg7[%swap3A_560, %swap3A_561], %min3A_558 {strides = array<i32>} : memref<2x64xi32, #tpu.memory_space<vmem>>, vector<16xi32>,
    %get3A_563 = arith.constant 0 : i32
    %get3A_564 = arith.index_cast %get3A_563 : i32 to index
    %get3A_565 = arith.constant 48 : index
    %get3A_566 = tpu.vector_load %arg7[%get3A_564, %get3A_565] {strides = array<i32>} : memref<2x64xi32, #tpu.memory_space<vmem>>, vector<16xi32>,
    %jit3A_567 = arith.constant 0 : i32
    %jit3A_568 = arith.constant 16383 : i32
    %max3A_569 = vector.broadcast %jit3A_567 : i32 to vector<16xi32>
    %max3A_570 = arith.maxsi %max3A_569, %get3A_566 : vector<16xi32>
    %min3A_571 = vector.broadcast %jit3A_568 : i32 to vector<16xi32>
    %min3A_572 = arith.minsi %min3A_571, %max3A_570 : vector<16xi32>
    %swap3A_573 = arith.constant 0 : i32
    %swap3A_574 = arith.index_cast %swap3A_573 : i32 to index
    %swap3A_575 = arith.constant 48 : index
    %swap3A_576 = tpu.vector_load %arg7[%swap3A_574, %swap3A_575] {strides = array<i32>} : memref<2x64xi32, #tpu.memory_space<vmem>>, vector<16xi32>,
    tpu.vector_store %arg7[%swap3A_574, %swap3A_575], %min3A_572 {strides = array<i32>} : memref<2x64xi32, #tpu.memory_space<vmem>>, vector<16xi32>,
    %mul3A_577 = arith.constant 512 : i32
    %mul3A_578 = arith.muli %add3A, %mul3A_577 : i32
    %add3A_579 = arith.constant 320 : i32
    %add3A_580 = arith.addi %mul3A_578, %add3A_579 : i32
    %dma_start3A_581 = arith.constant 1 : i32
    %dma_start3A_582 = arith.constant 0 : i32
    %dma_start3A_583 = tpu.memref_slice %arg7[%dma_start3A_581, %dma_start3A_582] : memref<2x64xi32, #tpu.memory_space<vmem>> -> memref<1x64xi32, #tpu.memory_space<vmem>>
    %dma_start3A_584 = tpu.memref_squeeze %dma_start3A_583 : memref<1x64xi32, #tpu.memory_space<vmem>> -> memref<64xi32, #tpu.memory_space<vmem>>
    %dma_start3A_585 = tpu.memref_slice %arg5[%add3A_580] : memref<16384xi32, #tpu.memory_space<vmem>> -> memref<64xi32, #tpu.memory_space<vmem>>
    %dma_start3A_586 = arith.constant 0 : i32
    %dma_start3A_587 = tpu.memref_slice %arg9[%dma_start3A_586] : memref<1048576xi32, #tpu.memory_space<vmem_shared>> -> memref<1048576xi32, #tpu.memory_space<vmem_shared>>
    tpu.enqueue_indirect_dma source(%dma_start3A_587 : memref<1048576xi32, #tpu.memory_space<vmem_shared>>) target(%dma_start3A_584 : memref<64xi32, #tpu.memory_space<vmem>>) offsets(%dma_start3A_585 : memref<64xi32, #tpu.memory_space<vmem>>) semaphore(%arg11 : memref<!tpu.dma_semaphore, #tpu.memory_space<semaphore_mem>>)
    %dma_wait3A_588 = arith.constant 0 : i32
    %dma_wait3A_589 = arith.constant 0 : i32
    %dma_wait3A_590 = arith.constant 0 : i32
    %dma_wait3A_591 = tpu.memref_slice %arg8[%dma_wait3A_588, %dma_wait3A_589, %dma_wait3A_590] : memref<2x64x64xf32, #tpu.memory_space<vmem>> -> memref<1x64x64xf32, #tpu.memory_space<vmem>>
    %dma_wait3A_592 = tpu.memref_squeeze %dma_wait3A_591 : memref<1x64x64xf32, #tpu.memory_space<vmem>> -> memref<64x64xf32, #tpu.memory_space<vmem>>
    %dma_wait3A_593 = arith.constant 0 : i32
    %dma_wait3A_594 = tpu.memref_slice %arg4[%add3A_257, %dma_wait3A_593] : memref<16384x64xf32, #tpu.memory_space<hbm>> -> memref<64x64xf32, #tpu.memory_space<hbm>>
    %dma_wait3A_595 = arith.constant 0 : i32
    %dma_wait3A_596 = tpu.memref_slice %arg4[%add3A_257, %dma_wait3A_595] : memref<16384x64xf32, #tpu.memory_space<hbm>> -> memref<64x64xf32, #tpu.memory_space<hbm>>
    %dma_wait3A_597 = arith.constant 0 : i32
    %dma_wait3A_598 = arith.constant 0 : i32
    %dma_wait3A_599 = tpu.memref_slice %arg8[%dma_wait3A_588, %dma_wait3A_597, %dma_wait3A_598] : memref<2x64x64xf32, #tpu.memory_space<vmem>> -> memref<1x64x64xf32, #tpu.memory_space<vmem>>
    %dma_wait3A_600 = tpu.memref_squeeze %dma_wait3A_599 : memref<1x64x64xf32, #tpu.memory_space<vmem>> -> memref<64x64xf32, #tpu.memory_space<vmem>>
    tpu.wait_dma2 semaphore(%arg14 : memref<!tpu.dma_semaphore, #tpu.memory_space<semaphore_mem>>) src(%dma_wait3A_600 : memref<64x64xf32, #tpu.memory_space<vmem>>) dst(%dma_wait3A_596 : memref<64x64xf32, #tpu.memory_space<hbm>>)
    %dma_start3A_601 = arith.constant 0 : i32
    %dma_start3A_602 = arith.constant 0 : i32
    %dma_start3A_603 = arith.constant 0 : i32
    %dma_start3A_604 = arith.constant 0 : i32
    %dma_start3A_605 = tpu.memref_slice %arg8[%dma_start3A_602, %dma_start3A_603, %dma_start3A_604] : memref<2x64x64xf32, #tpu.memory_space<vmem>> -> memref<1x64x64xf32, #tpu.memory_space<vmem>>
    %dma_start3A_606 = tpu.memref_squeeze %dma_start3A_605 : memref<1x64x64xf32, #tpu.memory_space<vmem>> -> memref<64x64xf32, #tpu.memory_space<vmem>>
    %dma_start3A_607 = arith.constant 0 : i32
    %dma_start3A_608 = tpu.memref_slice %arg7[%dma_start3A_601, %dma_start3A_607] : memref<2x64xi32, #tpu.memory_space<vmem>> -> memref<1x64xi32, #tpu.memory_space<vmem>>
    %dma_start3A_609 = tpu.memref_squeeze %dma_start3A_608 : memref<1x64xi32, #tpu.memory_space<vmem>> -> memref<64xi32, #tpu.memory_space<vmem>>
    %dma_start3A_610 = arith.constant 0 : i32
    %dma_start3A_611 = arith.constant 0 : i32
    %dma_start3A_612 = tpu.memref_slice %arg2[%dma_start3A_610, %dma_start3A_611] : memref<16384x64xf32, #tpu.memory_space<hbm>> -> memref<16384x64xf32, #tpu.memory_space<hbm>>
    tpu.enqueue_indirect_dma source(%dma_start3A_612 : memref<16384x64xf32, #tpu.memory_space<hbm>>) target(%dma_start3A_606 : memref<64x64xf32, #tpu.memory_space<vmem>>) offsets(%dma_start3A_609 : memref<64xi32, #tpu.memory_space<vmem>>) semaphore(%arg12 : memref<!tpu.dma_semaphore, #tpu.memory_space<semaphore_mem>>)
    %dma_wait3A_613 = arith.constant 0 : i32
    %dma_wait3A_614 = arith.constant 0 : i32
    %dma_wait3A_615 = arith.constant 0 : i32
    %dma_wait3A_616 = arith.constant 0 : i32
    %dma_wait3A_617 = tpu.memref_slice %arg8[%dma_wait3A_614, %dma_wait3A_615, %dma_wait3A_616] : memref<2x64x64xf32, #tpu.memory_space<vmem>> -> memref<1x64x64xf32, #tpu.memory_space<vmem>>
    %dma_wait3A_618 = tpu.memref_squeeze %dma_wait3A_617 : memref<1x64x64xf32, #tpu.memory_space<vmem>> -> memref<64x64xf32, #tpu.memory_space<vmem>>
    %dma_wait3A_619 = arith.constant 0 : i32
    %dma_wait3A_620 = tpu.memref_slice %arg7[%dma_wait3A_613, %dma_wait3A_619] : memref<2x64xi32, #tpu.memory_space<vmem>> -> memref<1x64xi32, #tpu.memory_space<vmem>>
    %dma_wait3A_621 = tpu.memref_squeeze %dma_wait3A_620 : memref<1x64xi32, #tpu.memory_space<vmem>> -> memref<64xi32, #tpu.memory_space<vmem>>
    %dma_wait3A_622 = arith.constant 0 : i32
    %dma_wait3A_623 = arith.constant 0 : i32
    %dma_wait3A_624 = tpu.memref_slice %arg2[%dma_wait3A_622, %dma_wait3A_623] : memref<16384x64xf32, #tpu.memory_space<hbm>> -> memref<16384x64xf32, #tpu.memory_space<hbm>>
    tpu.wait_indirect_dma semaphore(%arg12 : memref<!tpu.dma_semaphore, #tpu.memory_space<semaphore_mem>>) src(%dma_wait3A_624 : memref<16384x64xf32, #tpu.memory_space<hbm>>) dst(%dma_wait3A_618 : memref<64x64xf32, #tpu.memory_space<vmem>>)
    %dma_start3A_625 = arith.constant 0 : i32
    %dma_start3A_626 = arith.constant 0 : i32
    %dma_start3A_627 = arith.constant 0 : i32
    %dma_start3A_628 = tpu.memref_slice %arg8[%dma_start3A_625, %dma_start3A_626, %dma_start3A_627] : memref<2x64x64xf32, #tpu.memory_space<vmem>> -> memref<1x64x64xf32, #tpu.memory_space<vmem>>
    %dma_start3A_629 = tpu.memref_squeeze %dma_start3A_628 : memref<1x64x64xf32, #tpu.memory_space<vmem>> -> memref<64x64xf32, #tpu.memory_space<vmem>>
    %dma_start3A_630 = arith.constant 0 : i32
    %dma_start3A_631 = tpu.memref_slice %arg4[%add3A_513, %dma_start3A_630] : memref<16384x64xf32, #tpu.memory_space<hbm>> -> memref<64x64xf32, #tpu.memory_space<hbm>>
    %dma_start3A_632 = arith.constant 0 : i32
    %dma_start3A_633 = tpu.memref_slice %arg4[%add3A_513, %dma_start3A_632] : memref<16384x64xf32, #tpu.memory_space<hbm>> -> memref<64x64xf32, #tpu.memory_space<hbm>>
    %dma_start3A_634 = arith.constant 0 : i32
    %dma_start3A_635 = arith.constant 0 : i32
    %dma_start3A_636 = tpu.memref_slice %arg8[%dma_start3A_625, %dma_start3A_634, %dma_start3A_635] : memref<2x64x64xf32, #tpu.memory_space<vmem>> -> memref<1x64x64xf32, #tpu.memory_space<vmem>>
    %dma_start3A_637 = tpu.memref_squeeze %dma_start3A_636 : memref<1x64x64xf32, #tpu.memory_space<vmem>> -> memref<64x64xf32, #tpu.memory_space<vmem>>
    tpu.enqueue_dma source(%dma_start3A_637 : memref<64x64xf32, #tpu.memory_space<vmem>>) target(%dma_start3A_633 : memref<64x64xf32, #tpu.memory_space<hbm>>) target_semaphore(%arg14 : memref<!tpu.dma_semaphore, #tpu.memory_space<semaphore_mem>>)
    %mul3A_638 = arith.constant 512 : i32
    %mul3A_639 = arith.muli %add3A, %mul3A_638 : i32
    %add3A_640 = arith.constant 320 : i32
    %add3A_641 = arith.addi %mul3A_639, %add3A_640 : i32
    %dma_wait3A_642 = arith.constant 1 : i32
    %dma_wait3A_643 = arith.constant 0 : i32
    %dma_wait3A_644 = tpu.memref_slice %arg7[%dma_wait3A_642, %dma_wait3A_643] : memref<2x64xi32, #tpu.memory_space<vmem>> -> memref<1x64xi32, #tpu.memory_space<vmem>>
    %dma_wait3A_645 = tpu.memref_squeeze %dma_wait3A_644 : memref<1x64xi32, #tpu.memory_space<vmem>> -> memref<64xi32, #tpu.memory_space<vmem>>
    %dma_wait3A_646 = tpu.memref_slice %arg5[%add3A_580] : memref<16384xi32, #tpu.memory_space<vmem>> -> memref<64xi32, #tpu.memory_space<vmem>>
    %dma_wait3A_647 = arith.constant 0 : i32
    %dma_wait3A_648 = tpu.memref_slice %arg9[%dma_wait3A_647] : memref<1048576xi32, #tpu.memory_space<vmem_shared>> -> memref<1048576xi32, #tpu.memory_space<vmem_shared>>
    tpu.wait_indirect_dma semaphore(%arg11 : memref<!tpu.dma_semaphore, #tpu.memory_space<semaphore_mem>>) src(%dma_wait3A_648 : memref<1048576xi32, #tpu.memory_space<vmem_shared>>) dst(%dma_wait3A_645 : memref<64xi32, #tpu.memory_space<vmem>>)
    %get3A_649 = arith.constant 1 : i32
    %get3A_650 = arith.index_cast %get3A_649 : i32 to index
    %get3A_651 = arith.constant 0 : index
    %get3A_652 = tpu.vector_load %arg7[%get3A_650, %get3A_651] {strides = array<i32>} : memref<2x64xi32, #tpu.memory_space<vmem>>, vector<16xi32>,
    %jit3A_653 = arith.constant 0 : i32
    %jit3A_654 = arith.constant 16383 : i32
    %max3A_655 = vector.broadcast %jit3A_653 : i32 to vector<16xi32>
    %max3A_656 = arith.maxsi %max3A_655, %get3A_652 : vector<16xi32>
    %min3A_657 = vector.broadcast %jit3A_654 : i32 to vector<16xi32>
    %min3A_658 = arith.minsi %min3A_657, %max3A_656 : vector<16xi32>
    %swap3A_659 = arith.constant 1 : i32
    %swap3A_660 = arith.index_cast %swap3A_659 : i32 to index
    %swap3A_661 = arith.constant 0 : index
    %swap3A_662 = tpu.vector_load %arg7[%swap3A_660, %swap3A_661] {strides = array<i32>} : memref<2x64xi32, #tpu.memory_space<vmem>>, vector<16xi32>,
    tpu.vector_store %arg7[%swap3A_660, %swap3A_661], %min3A_658 {strides = array<i32>} : memref<2x64xi32, #tpu.memory_space<vmem>>, vector<16xi32>,
    %get3A_663 = arith.constant 1 : i32
    %get3A_664 = arith.index_cast %get3A_663 : i32 to index
    %get3A_665 = arith.constant 16 : index
    %get3A_666 = tpu.vector_load %arg7[%get3A_664, %get3A_665] {strides = array<i32>} : memref<2x64xi32, #tpu.memory_space<vmem>>, vector<16xi32>,
    %jit3A_667 = arith.constant 0 : i32
    %jit3A_668 = arith.constant 16383 : i32
    %max3A_669 = vector.broadcast %jit3A_667 : i32 to vector<16xi32>
    %max3A_670 = arith.maxsi %max3A_669, %get3A_666 : vector<16xi32>
    %min3A_671 = vector.broadcast %jit3A_668 : i32 to vector<16xi32>
    %min3A_672 = arith.minsi %min3A_671, %max3A_670 : vector<16xi32>
    %swap3A_673 = arith.constant 1 : i32
    %swap3A_674 = arith.index_cast %swap3A_673 : i32 to index
    %swap3A_675 = arith.constant 16 : index
    %swap3A_676 = tpu.vector_load %arg7[%swap3A_674, %swap3A_675] {strides = array<i32>} : memref<2x64xi32, #tpu.memory_space<vmem>>, vector<16xi32>,
    tpu.vector_store %arg7[%swap3A_674, %swap3A_675], %min3A_672 {strides = array<i32>} : memref<2x64xi32, #tpu.memory_space<vmem>>, vector<16xi32>,
    %get3A_677 = arith.constant 1 : i32
    %get3A_678 = arith.index_cast %get3A_677 : i32 to index
    %get3A_679 = arith.constant 32 : index
    %get3A_680 = tpu.vector_load %arg7[%get3A_678, %get3A_679] {strides = array<i32>} : memref<2x64xi32, #tpu.memory_space<vmem>>, vector<16xi32>,
    %jit3A_681 = arith.constant 0 : i32
    %jit3A_682 = arith.constant 16383 : i32
    %max3A_683 = vector.broadcast %jit3A_681 : i32 to vector<16xi32>
    %max3A_684 = arith.maxsi %max3A_683, %get3A_680 : vector<16xi32>
    %min3A_685 = vector.broadcast %jit3A_682 : i32 to vector<16xi32>
    %min3A_686 = arith.minsi %min3A_685, %max3A_684 : vector<16xi32>
    %swap3A_687 = arith.constant 1 : i32
    %swap3A_688 = arith.index_cast %swap3A_687 : i32 to index
    %swap3A_689 = arith.constant 32 : index
    %swap3A_690 = tpu.vector_load %arg7[%swap3A_688, %swap3A_689] {strides = array<i32>} : memref<2x64xi32, #tpu.memory_space<vmem>>, vector<16xi32>,
    tpu.vector_store %arg7[%swap3A_688, %swap3A_689], %min3A_686 {strides = array<i32>} : memref<2x64xi32, #tpu.memory_space<vmem>>, vector<16xi32>,
    %get3A_691 = arith.constant 1 : i32
    %get3A_692 = arith.index_cast %get3A_691 : i32 to index
    %get3A_693 = arith.constant 48 : index
    %get3A_694 = tpu.vector_load %arg7[%get3A_692, %get3A_693] {strides = array<i32>} : memref<2x64xi32, #tpu.memory_space<vmem>>, vector<16xi32>,
    %jit3A_695 = arith.constant 0 : i32
    %jit3A_696 = arith.constant 16383 : i32
    %max3A_697 = vector.broadcast %jit3A_695 : i32 to vector<16xi32>
    %max3A_698 = arith.maxsi %max3A_697, %get3A_694 : vector<16xi32>
    %min3A_699 = vector.broadcast %jit3A_696 : i32 to vector<16xi32>
    %min3A_700 = arith.minsi %min3A_699, %max3A_698 : vector<16xi32>
    %swap3A_701 = arith.constant 1 : i32
    %swap3A_702 = arith.index_cast %swap3A_701 : i32 to index
    %swap3A_703 = arith.constant 48 : index
    %swap3A_704 = tpu.vector_load %arg7[%swap3A_702, %swap3A_703] {strides = array<i32>} : memref<2x64xi32, #tpu.memory_space<vmem>>, vector<16xi32>,
    tpu.vector_store %arg7[%swap3A_702, %swap3A_703], %min3A_700 {strides = array<i32>} : memref<2x64xi32, #tpu.memory_space<vmem>>, vector<16xi32>,
    %mul3A_705 = arith.constant 512 : i32
    %mul3A_706 = arith.muli %add3A, %mul3A_705 : i32
    %add3A_707 = arith.constant 384 : i32
    %add3A_708 = arith.addi %mul3A_706, %add3A_707 : i32
    %dma_start3A_709 = arith.constant 0 : i32
    %dma_start3A_710 = arith.constant 0 : i32
    %dma_start3A_711 = tpu.memref_slice %arg7[%dma_start3A_709, %dma_start3A_710] : memref<2x64xi32, #tpu.memory_space<vmem>> -> memref<1x64xi32, #tpu.memory_space<vmem>>
    %dma_start3A_712 = tpu.memref_squeeze %dma_start3A_711 : memref<1x64xi32, #tpu.memory_space<vmem>> -> memref<64xi32, #tpu.memory_space<vmem>>
    %dma_start3A_713 = tpu.memref_slice %arg5[%add3A_708] : memref<16384xi32, #tpu.memory_space<vmem>> -> memref<64xi32, #tpu.memory_space<vmem>>
    %dma_start3A_714 = arith.constant 0 : i32
    %dma_start3A_715 = tpu.memref_slice %arg9[%dma_start3A_714] : memref<1048576xi32, #tpu.memory_space<vmem_shared>> -> memref<1048576xi32, #tpu.memory_space<vmem_shared>>
    tpu.enqueue_indirect_dma source(%dma_start3A_715 : memref<1048576xi32, #tpu.memory_space<vmem_shared>>) target(%dma_start3A_712 : memref<64xi32, #tpu.memory_space<vmem>>) offsets(%dma_start3A_713 : memref<64xi32, #tpu.memory_space<vmem>>) semaphore(%arg10 : memref<!tpu.dma_semaphore, #tpu.memory_space<semaphore_mem>>)
    %dma_wait3A_716 = arith.constant 1 : i32
    %dma_wait3A_717 = arith.constant 0 : i32
    %dma_wait3A_718 = arith.constant 0 : i32
    %dma_wait3A_719 = tpu.memref_slice %arg8[%dma_wait3A_716, %dma_wait3A_717, %dma_wait3A_718] : memref<2x64x64xf32, #tpu.memory_space<vmem>> -> memref<1x64x64xf32, #tpu.memory_space<vmem>>
    %dma_wait3A_720 = tpu.memref_squeeze %dma_wait3A_719 : memref<1x64x64xf32, #tpu.memory_space<vmem>> -> memref<64x64xf32, #tpu.memory_space<vmem>>
    %dma_wait3A_721 = arith.constant 0 : i32
    %dma_wait3A_722 = tpu.memref_slice %arg4[%add3A_385, %dma_wait3A_721] : memref<16384x64xf32, #tpu.memory_space<hbm>> -> memref<64x64xf32, #tpu.memory_space<hbm>>
    %dma_wait3A_723 = arith.constant 0 : i32
    %dma_wait3A_724 = tpu.memref_slice %arg4[%add3A_385, %dma_wait3A_723] : memref<16384x64xf32, #tpu.memory_space<hbm>> -> memref<64x64xf32, #tpu.memory_space<hbm>>
    %dma_wait3A_725 = arith.constant 0 : i32
    %dma_wait3A_726 = arith.constant 0 : i32
    %dma_wait3A_727 = tpu.memref_slice %arg8[%dma_wait3A_716, %dma_wait3A_725, %dma_wait3A_726] : memref<2x64x64xf32, #tpu.memory_space<vmem>> -> memref<1x64x64xf32, #tpu.memory_space<vmem>>
    %dma_wait3A_728 = tpu.memref_squeeze %dma_wait3A_727 : memref<1x64x64xf32, #tpu.memory_space<vmem>> -> memref<64x64xf32, #tpu.memory_space<vmem>>
    tpu.wait_dma2 semaphore(%arg15 : memref<!tpu.dma_semaphore, #tpu.memory_space<semaphore_mem>>) src(%dma_wait3A_728 : memref<64x64xf32, #tpu.memory_space<vmem>>) dst(%dma_wait3A_724 : memref<64x64xf32, #tpu.memory_space<hbm>>)
    %dma_start3A_729 = arith.constant 1 : i32
    %dma_start3A_730 = arith.constant 1 : i32
    %dma_start3A_731 = arith.constant 0 : i32
    %dma_start3A_732 = arith.constant 0 : i32
    %dma_start3A_733 = tpu.memref_slice %arg8[%dma_start3A_730, %dma_start3A_731, %dma_start3A_732] : memref<2x64x64xf32, #tpu.memory_space<vmem>> -> memref<1x64x64xf32, #tpu.memory_space<vmem>>
    %dma_start3A_734 = tpu.memref_squeeze %dma_start3A_733 : memref<1x64x64xf32, #tpu.memory_space<vmem>> -> memref<64x64xf32, #tpu.memory_space<vmem>>
    %dma_start3A_735 = arith.constant 0 : i32
    %dma_start3A_736 = tpu.memref_slice %arg7[%dma_start3A_729, %dma_start3A_735] : memref<2x64xi32, #tpu.memory_space<vmem>> -> memref<1x64xi32, #tpu.memory_space<vmem>>
    %dma_start3A_737 = tpu.memref_squeeze %dma_start3A_736 : memref<1x64xi32, #tpu.memory_space<vmem>> -> memref<64xi32, #tpu.memory_space<vmem>>
    %dma_start3A_738 = arith.constant 0 : i32
    %dma_start3A_739 = arith.constant 0 : i32
    %dma_start3A_740 = tpu.memref_slice %arg2[%dma_start3A_738, %dma_start3A_739] : memref<16384x64xf32, #tpu.memory_space<hbm>> -> memref<16384x64xf32, #tpu.memory_space<hbm>>
    tpu.enqueue_indirect_dma source(%dma_start3A_740 : memref<16384x64xf32, #tpu.memory_space<hbm>>) target(%dma_start3A_734 : memref<64x64xf32, #tpu.memory_space<vmem>>) offsets(%dma_start3A_737 : memref<64xi32, #tpu.memory_space<vmem>>) semaphore(%arg13 : memref<!tpu.dma_semaphore, #tpu.memory_space<semaphore_mem>>)
    %dma_wait3A_741 = arith.constant 1 : i32
    %dma_wait3A_742 = arith.constant 1 : i32
    %dma_wait3A_743 = arith.constant 0 : i32
    %dma_wait3A_744 = arith.constant 0 : i32
    %dma_wait3A_745 = tpu.memref_slice %arg8[%dma_wait3A_742, %dma_wait3A_743, %dma_wait3A_744] : memref<2x64x64xf32, #tpu.memory_space<vmem>> -> memref<1x64x64xf32, #tpu.memory_space<vmem>>
    %dma_wait3A_746 = tpu.memref_squeeze %dma_wait3A_745 : memref<1x64x64xf32, #tpu.memory_space<vmem>> -> memref<64x64xf32, #tpu.memory_space<vmem>>
    %dma_wait3A_747 = arith.constant 0 : i32
    %dma_wait3A_748 = tpu.memref_slice %arg7[%dma_wait3A_741, %dma_wait3A_747] : memref<2x64xi32, #tpu.memory_space<vmem>> -> memref<1x64xi32, #tpu.memory_space<vmem>>
    %dma_wait3A_749 = tpu.memref_squeeze %dma_wait3A_748 : memref<1x64xi32, #tpu.memory_space<vmem>> -> memref<64xi32, #tpu.memory_space<vmem>>
    %dma_wait3A_750 = arith.constant 0 : i32
    %dma_wait3A_751 = arith.constant 0 : i32
    %dma_wait3A_752 = tpu.memref_slice %arg2[%dma_wait3A_750, %dma_wait3A_751] : memref<16384x64xf32, #tpu.memory_space<hbm>> -> memref<16384x64xf32, #tpu.memory_space<hbm>>
    tpu.wait_indirect_dma semaphore(%arg13 : memref<!tpu.dma_semaphore, #tpu.memory_space<semaphore_mem>>) src(%dma_wait3A_752 : memref<16384x64xf32, #tpu.memory_space<hbm>>) dst(%dma_wait3A_746 : memref<64x64xf32, #tpu.memory_space<vmem>>)
    %dma_start3A_753 = arith.constant 1 : i32
    %dma_start3A_754 = arith.constant 0 : i32
    %dma_start3A_755 = arith.constant 0 : i32
    %dma_start3A_756 = tpu.memref_slice %arg8[%dma_start3A_753, %dma_start3A_754, %dma_start3A_755] : memref<2x64x64xf32, #tpu.memory_space<vmem>> -> memref<1x64x64xf32, #tpu.memory_space<vmem>>
    %dma_start3A_757 = tpu.memref_squeeze %dma_start3A_756 : memref<1x64x64xf32, #tpu.memory_space<vmem>> -> memref<64x64xf32, #tpu.memory_space<vmem>>
    %dma_start3A_758 = arith.constant 0 : i32
    %dma_start3A_759 = tpu.memref_slice %arg4[%add3A_641, %dma_start3A_758] : memref<16384x64xf32, #tpu.memory_space<hbm>> -> memref<64x64xf32, #tpu.memory_space<hbm>>
    %dma_start3A_760 = arith.constant 0 : i32
    %dma_start3A_761 = tpu.memref_slice %arg4[%add3A_641, %dma_start3A_760] : memref<16384x64xf32, #tpu.memory_space<hbm>> -> memref<64x64xf32, #tpu.memory_space<hbm>>
    %dma_start3A_762 = arith.constant 0 : i32
    %dma_start3A_763 = arith.constant 0 : i32
    %dma_start3A_764 = tpu.memref_slice %arg8[%dma_start3A_753, %dma_start3A_762, %dma_start3A_763] : memref<2x64x64xf32, #tpu.memory_space<vmem>> -> memref<1x64x64xf32, #tpu.memory_space<vmem>>
    %dma_start3A_765 = tpu.memref_squeeze %dma_start3A_764 : memref<1x64x64xf32, #tpu.memory_space<vmem>> -> memref<64x64xf32, #tpu.memory_space<vmem>>
    tpu.enqueue_dma source(%dma_start3A_765 : memref<64x64xf32, #tpu.memory_space<vmem>>) target(%dma_start3A_761 : memref<64x64xf32, #tpu.memory_space<hbm>>) target_semaphore(%arg15 : memref<!tpu.dma_semaphore, #tpu.memory_space<semaphore_mem>>)
    %mul3A_766 = arith.constant 512 : i32
    %mul3A_767 = arith.muli %add3A, %mul3A_766 : i32
    %add3A_768 = arith.constant 384 : i32
    %add3A_769 = arith.addi %mul3A_767, %add3A_768 : i32
    %dma_wait3A_770 = arith.constant 0 : i32
    %dma_wait3A_771 = arith.constant 0 : i32
    %dma_wait3A_772 = tpu.memref_slice %arg7[%dma_wait3A_770, %dma_wait3A_771] : memref<2x64xi32, #tpu.memory_space<vmem>> -> memref<1x64xi32, #tpu.memory_space<vmem>>
    %dma_wait3A_773 = tpu.memref_squeeze %dma_wait3A_772 : memref<1x64xi32, #tpu.memory_space<vmem>> -> memref<64xi32, #tpu.memory_space<vmem>>
    %dma_wait3A_774 = tpu.memref_slice %arg5[%add3A_708] : memref<16384xi32, #tpu.memory_space<vmem>> -> memref<64xi32, #tpu.memory_space<vmem>>
    %dma_wait3A_775 = arith.constant 0 : i32
    %dma_wait3A_776 = tpu.memref_slice %arg9[%dma_wait3A_775] : memref<1048576xi32, #tpu.memory_space<vmem_shared>> -> memref<1048576xi32, #tpu.memory_space<vmem_shared>>
    tpu.wait_indirect_dma semaphore(%arg10 : memref<!tpu.dma_semaphore, #tpu.memory_space<semaphore_mem>>) src(%dma_wait3A_776 : memref<1048576xi32, #tpu.memory_space<vmem_shared>>) dst(%dma_wait3A_773 : memref<64xi32, #tpu.memory_space<vmem>>)
    %get3A_777 = arith.constant 0 : i32
    %get3A_778 = arith.index_cast %get3A_777 : i32 to index
    %get3A_779 = arith.constant 0 : index
    %get3A_780 = tpu.vector_load %arg7[%get3A_778, %get3A_779] {strides = array<i32>} : memref<2x64xi32, #tpu.memory_space<vmem>>, vector<16xi32>,
    %jit3A_781 = arith.constant 0 : i32
    %jit3A_782 = arith.constant 16383 : i32
    %max3A_783 = vector.broadcast %jit3A_781 : i32 to vector<16xi32>
    %max3A_784 = arith.maxsi %max3A_783, %get3A_780 : vector<16xi32>
    %min3A_785 = vector.broadcast %jit3A_782 : i32 to vector<16xi32>
    %min3A_786 = arith.minsi %min3A_785, %max3A_784 : vector<16xi32>
    %swap3A_787 = arith.constant 0 : i32
    %swap3A_788 = arith.index_cast %swap3A_787 : i32 to index
    %swap3A_789 = arith.constant 0 : index
    %swap3A_790 = tpu.vector_load %arg7[%swap3A_788, %swap3A_789] {strides = array<i32>} : memref<2x64xi32, #tpu.memory_space<vmem>>, vector<16xi32>,
    tpu.vector_store %arg7[%swap3A_788, %swap3A_789], %min3A_786 {strides = array<i32>} : memref<2x64xi32, #tpu.memory_space<vmem>>, vector<16xi32>,
    %get3A_791 = arith.constant 0 : i32
    %get3A_792 = arith.index_cast %get3A_791 : i32 to index
    %get3A_793 = arith.constant 16 : index
    %get3A_794 = tpu.vector_load %arg7[%get3A_792, %get3A_793] {strides = array<i32>} : memref<2x64xi32, #tpu.memory_space<vmem>>, vector<16xi32>,
    %jit3A_795 = arith.constant 0 : i32
    %jit3A_796 = arith.constant 16383 : i32
    %max3A_797 = vector.broadcast %jit3A_795 : i32 to vector<16xi32>
    %max3A_798 = arith.maxsi %max3A_797, %get3A_794 : vector<16xi32>
    %min3A_799 = vector.broadcast %jit3A_796 : i32 to vector<16xi32>
    %min3A_800 = arith.minsi %min3A_799, %max3A_798 : vector<16xi32>
    %swap3A_801 = arith.constant 0 : i32
    %swap3A_802 = arith.index_cast %swap3A_801 : i32 to index
    %swap3A_803 = arith.constant 16 : index
    %swap3A_804 = tpu.vector_load %arg7[%swap3A_802, %swap3A_803] {strides = array<i32>} : memref<2x64xi32, #tpu.memory_space<vmem>>, vector<16xi32>,
    tpu.vector_store %arg7[%swap3A_802, %swap3A_803], %min3A_800 {strides = array<i32>} : memref<2x64xi32, #tpu.memory_space<vmem>>, vector<16xi32>,
    %get3A_805 = arith.constant 0 : i32
    %get3A_806 = arith.index_cast %get3A_805 : i32 to index
    %get3A_807 = arith.constant 32 : index
    %get3A_808 = tpu.vector_load %arg7[%get3A_806, %get3A_807] {strides = array<i32>} : memref<2x64xi32, #tpu.memory_space<vmem>>, vector<16xi32>,
    %jit3A_809 = arith.constant 0 : i32
    %jit3A_810 = arith.constant 16383 : i32
    %max3A_811 = vector.broadcast %jit3A_809 : i32 to vector<16xi32>
    %max3A_812 = arith.maxsi %max3A_811, %get3A_808 : vector<16xi32>
    %min3A_813 = vector.broadcast %jit3A_810 : i32 to vector<16xi32>
    %min3A_814 = arith.minsi %min3A_813, %max3A_812 : vector<16xi32>
    %swap3A_815 = arith.constant 0 : i32
    %swap3A_816 = arith.index_cast %swap3A_815 : i32 to index
    %swap3A_817 = arith.constant 32 : index
    %swap3A_818 = tpu.vector_load %arg7[%swap3A_816, %swap3A_817] {strides = array<i32>} : memref<2x64xi32, #tpu.memory_space<vmem>>, vector<16xi32>,
    tpu.vector_store %arg7[%swap3A_816, %swap3A_817], %min3A_814 {strides = array<i32>} : memref<2x64xi32, #tpu.memory_space<vmem>>, vector<16xi32>,
    %get3A_819 = arith.constant 0 : i32
    %get3A_820 = arith.index_cast %get3A_819 : i32 to index
    %get3A_821 = arith.constant 48 : index
    %get3A_822 = tpu.vector_load %arg7[%get3A_820, %get3A_821] {strides = array<i32>} : memref<2x64xi32, #tpu.memory_space<vmem>>, vector<16xi32>,
    %jit3A_823 = arith.constant 0 : i32
    %jit3A_824 = arith.constant 16383 : i32
    %max3A_825 = vector.broadcast %jit3A_823 : i32 to vector<16xi32>
    %max3A_826 = arith.maxsi %max3A_825, %get3A_822 : vector<16xi32>
    %min3A_827 = vector.broadcast %jit3A_824 : i32 to vector<16xi32>
    %min3A_828 = arith.minsi %min3A_827, %max3A_826 : vector<16xi32>
    %swap3A_829 = arith.constant 0 : i32
    %swap3A_830 = arith.index_cast %swap3A_829 : i32 to index
    %swap3A_831 = arith.constant 48 : index
    %swap3A_832 = tpu.vector_load %arg7[%swap3A_830, %swap3A_831] {strides = array<i32>} : memref<2x64xi32, #tpu.memory_space<vmem>>, vector<16xi32>,
    tpu.vector_store %arg7[%swap3A_830, %swap3A_831], %min3A_828 {strides = array<i32>} : memref<2x64xi32, #tpu.memory_space<vmem>>, vector<16xi32>,
    %mul3A_833 = arith.constant 512 : i32
    %mul3A_834 = arith.muli %add3A, %mul3A_833 : i32
    %add3A_835 = arith.constant 448 : i32
    %add3A_836 = arith.addi %mul3A_834, %add3A_835 : i32
    %dma_start3A_837 = arith.constant 1 : i32
    %dma_start3A_838 = arith.constant 0 : i32
    %dma_start3A_839 = tpu.memref_slice %arg7[%dma_start3A_837, %dma_start3A_838] : memref<2x64xi32, #tpu.memory_space<vmem>> -> memref<1x64xi32, #tpu.memory_space<vmem>>
    %dma_start3A_840 = tpu.memref_squeeze %dma_start3A_839 : memref<1x64xi32, #tpu.memory_space<vmem>> -> memref<64xi32, #tpu.memory_space<vmem>>
    %dma_start3A_841 = tpu.memref_slice %arg5[%add3A_836] : memref<16384xi32, #tpu.memory_space<vmem>> -> memref<64xi32, #tpu.memory_space<vmem>>
    %dma_start3A_842 = arith.constant 0 : i32
    %dma_start3A_843 = tpu.memref_slice %arg9[%dma_start3A_842] : memref<1048576xi32, #tpu.memory_space<vmem_shared>> -> memref<1048576xi32, #tpu.memory_space<vmem_shared>>
    tpu.enqueue_indirect_dma source(%dma_start3A_843 : memref<1048576xi32, #tpu.memory_space<vmem_shared>>) target(%dma_start3A_840 : memref<64xi32, #tpu.memory_space<vmem>>) offsets(%dma_start3A_841 : memref<64xi32, #tpu.memory_space<vmem>>) semaphore(%arg11 : memref<!tpu.dma_semaphore, #tpu.memory_space<semaphore_mem>>)
    %dma_wait3A_844 = arith.constant 0 : i32
    %dma_wait3A_845 = arith.constant 0 : i32
    %dma_wait3A_846 = arith.constant 0 : i32
    %dma_wait3A_847 = tpu.memref_slice %arg8[%dma_wait3A_844, %dma_wait3A_845, %dma_wait3A_846] : memref<2x64x64xf32, #tpu.memory_space<vmem>> -> memref<1x64x64xf32, #tpu.memory_space<vmem>>
    %dma_wait3A_848 = tpu.memref_squeeze %dma_wait3A_847 : memref<1x64x64xf32, #tpu.memory_space<vmem>> -> memref<64x64xf32, #tpu.memory_space<vmem>>
    %dma_wait3A_849 = arith.constant 0 : i32
    %dma_wait3A_850 = tpu.memref_slice %arg4[%add3A_513, %dma_wait3A_849] : memref<16384x64xf32, #tpu.memory_space<hbm>> -> memref<64x64xf32, #tpu.memory_space<hbm>>
    %dma_wait3A_851 = arith.constant 0 : i32
    %dma_wait3A_852 = tpu.memref_slice %arg4[%add3A_513, %dma_wait3A_851] : memref<16384x64xf32, #tpu.memory_space<hbm>> -> memref<64x64xf32, #tpu.memory_space<hbm>>
    %dma_wait3A_853 = arith.constant 0 : i32
    %dma_wait3A_854 = arith.constant 0 : i32
    %dma_wait3A_855 = tpu.memref_slice %arg8[%dma_wait3A_844, %dma_wait3A_853, %dma_wait3A_854] : memref<2x64x64xf32, #tpu.memory_space<vmem>> -> memref<1x64x64xf32, #tpu.memory_space<vmem>>
    %dma_wait3A_856 = tpu.memref_squeeze %dma_wait3A_855 : memref<1x64x64xf32, #tpu.memory_space<vmem>> -> memref<64x64xf32, #tpu.memory_space<vmem>>
    tpu.wait_dma2 semaphore(%arg14 : memref<!tpu.dma_semaphore, #tpu.memory_space<semaphore_mem>>) src(%dma_wait3A_856 : memref<64x64xf32, #tpu.memory_space<vmem>>) dst(%dma_wait3A_852 : memref<64x64xf32, #tpu.memory_space<hbm>>)
    %dma_start3A_857 = arith.constant 0 : i32
    %dma_start3A_858 = arith.constant 0 : i32
    %dma_start3A_859 = arith.constant 0 : i32
    %dma_start3A_860 = arith.constant 0 : i32
    %dma_start3A_861 = tpu.memref_slice %arg8[%dma_start3A_858, %dma_start3A_859, %dma_start3A_860] : memref<2x64x64xf32, #tpu.memory_space<vmem>> -> memref<1x64x64xf32, #tpu.memory_space<vmem>>
    %dma_start3A_862 = tpu.memref_squeeze %dma_start3A_861 : memref<1x64x64xf32, #tpu.memory_space<vmem>> -> memref<64x64xf32, #tpu.memory_space<vmem>>
    %dma_start3A_863 = arith.constant 0 : i32
    %dma_start3A_864 = tpu.memref_slice %arg7[%dma_start3A_857, %dma_start3A_863] : memref<2x64xi32, #tpu.memory_space<vmem>> -> memref<1x64xi32, #tpu.memory_space<vmem>>
    %dma_start3A_865 = tpu.memref_squeeze %dma_start3A_864 : memref<1x64xi32, #tpu.memory_space<vmem>> -> memref<64xi32, #tpu.memory_space<vmem>>
    %dma_start3A_866 = arith.constant 0 : i32
    %dma_start3A_867 = arith.constant 0 : i32
    %dma_start3A_868 = tpu.memref_slice %arg2[%dma_start3A_866, %dma_start3A_867] : memref<16384x64xf32, #tpu.memory_space<hbm>> -> memref<16384x64xf32, #tpu.memory_space<hbm>>
    tpu.enqueue_indirect_dma source(%dma_start3A_868 : memref<16384x64xf32, #tpu.memory_space<hbm>>) target(%dma_start3A_862 : memref<64x64xf32, #tpu.memory_space<vmem>>) offsets(%dma_start3A_865 : memref<64xi32, #tpu.memory_space<vmem>>) semaphore(%arg12 : memref<!tpu.dma_semaphore, #tpu.memory_space<semaphore_mem>>)
    %dma_wait3A_869 = arith.constant 0 : i32
    %dma_wait3A_870 = arith.constant 0 : i32
    %dma_wait3A_871 = arith.constant 0 : i32
    %dma_wait3A_872 = arith.constant 0 : i32
    %dma_wait3A_873 = tpu.memref_slice %arg8[%dma_wait3A_870, %dma_wait3A_871, %dma_wait3A_872] : memref<2x64x64xf32, #tpu.memory_space<vmem>> -> memref<1x64x64xf32, #tpu.memory_space<vmem>>
    %dma_wait3A_874 = tpu.memref_squeeze %dma_wait3A_873 : memref<1x64x64xf32, #tpu.memory_space<vmem>> -> memref<64x64xf32, #tpu.memory_space<vmem>>
    %dma_wait3A_875 = arith.constant 0 : i32
    %dma_wait3A_876 = tpu.memref_slice %arg7[%dma_wait3A_869, %dma_wait3A_875] : memref<2x64xi32, #tpu.memory_space<vmem>> -> memref<1x64xi32, #tpu.memory_space<vmem>>
    %dma_wait3A_877 = tpu.memref_squeeze %dma_wait3A_876 : memref<1x64xi32, #tpu.memory_space<vmem>> -> memref<64xi32, #tpu.memory_space<vmem>>
    %dma_wait3A_878 = arith.constant 0 : i32
    %dma_wait3A_879 = arith.constant 0 : i32
    %dma_wait3A_880 = tpu.memref_slice %arg2[%dma_wait3A_878, %dma_wait3A_879] : memref<16384x64xf32, #tpu.memory_space<hbm>> -> memref<16384x64xf32, #tpu.memory_space<hbm>>
    tpu.wait_indirect_dma semaphore(%arg12 : memref<!tpu.dma_semaphore, #tpu.memory_space<semaphore_mem>>) src(%dma_wait3A_880 : memref<16384x64xf32, #tpu.memory_space<hbm>>) dst(%dma_wait3A_874 : memref<64x64xf32, #tpu.memory_space<vmem>>)
    %dma_start3A_881 = arith.constant 0 : i32
    %dma_start3A_882 = arith.constant 0 : i32
    %dma_start3A_883 = arith.constant 0 : i32
    %dma_start3A_884 = tpu.memref_slice %arg8[%dma_start3A_881, %dma_start3A_882, %dma_start3A_883] : memref<2x64x64xf32, #tpu.memory_space<vmem>> -> memref<1x64x64xf32, #tpu.memory_space<vmem>>
    %dma_start3A_885 = tpu.memref_squeeze %dma_start3A_884 : memref<1x64x64xf32, #tpu.memory_space<vmem>> -> memref<64x64xf32, #tpu.memory_space<vmem>>
    %dma_start3A_886 = arith.constant 0 : i32
    %dma_start3A_887 = tpu.memref_slice %arg4[%add3A_769, %dma_start3A_886] : memref<16384x64xf32, #tpu.memory_space<hbm>> -> memref<64x64xf32, #tpu.memory_space<hbm>>
    %dma_start3A_888 = arith.constant 0 : i32
    %dma_start3A_889 = tpu.memref_slice %arg4[%add3A_769, %dma_start3A_888] : memref<16384x64xf32, #tpu.memory_space<hbm>> -> memref<64x64xf32, #tpu.memory_space<hbm>>
    %dma_start3A_890 = arith.constant 0 : i32
    %dma_start3A_891 = arith.constant 0 : i32
    %dma_start3A_892 = tpu.memref_slice %arg8[%dma_start3A_881, %dma_start3A_890, %dma_start3A_891] : memref<2x64x64xf32, #tpu.memory_space<vmem>> -> memref<1x64x64xf32, #tpu.memory_space<vmem>>
    %dma_start3A_893 = tpu.memref_squeeze %dma_start3A_892 : memref<1x64x64xf32, #tpu.memory_space<vmem>> -> memref<64x64xf32, #tpu.memory_space<vmem>>
    tpu.enqueue_dma source(%dma_start3A_893 : memref<64x64xf32, #tpu.memory_space<vmem>>) target(%dma_start3A_889 : memref<64x64xf32, #tpu.memory_space<hbm>>) target_semaphore(%arg14 : memref<!tpu.dma_semaphore, #tpu.memory_space<semaphore_mem>>)
    %mul3A_894 = arith.constant 512 : i32
    %mul3A_895 = arith.muli %add3A, %mul3A_894 : i32
    %add3A_896 = arith.constant 448 : i32
    %add3A_897 = arith.addi %mul3A_895, %add3A_896 : i32
    %dma_wait3A_898 = arith.constant 1 : i32
    %dma_wait3A_899 = arith.constant 0 : i32
    %dma_wait3A_900 = tpu.memref_slice %arg7[%dma_wait3A_898, %dma_wait3A_899] : memref<2x64xi32, #tpu.memory_space<vmem>> -> memref<1x64xi32, #tpu.memory_space<vmem>>
    %dma_wait3A_901 = tpu.memref_squeeze %dma_wait3A_900 : memref<1x64xi32, #tpu.memory_space<vmem>> -> memref<64xi32, #tpu.memory_space<vmem>>
    %dma_wait3A_902 = tpu.memref_slice %arg5[%add3A_836] : memref<16384xi32, #tpu.memory_space<vmem>> -> memref<64xi32, #tpu.memory_space<vmem>>
    %dma_wait3A_903 = arith.constant 0 : i32
    %dma_wait3A_904 = tpu.memref_slice %arg9[%dma_wait3A_903] : memref<1048576xi32, #tpu.memory_space<vmem_shared>> -> memref<1048576xi32, #tpu.memory_space<vmem_shared>>
    tpu.wait_indirect_dma semaphore(%arg11 : memref<!tpu.dma_semaphore, #tpu.memory_space<semaphore_mem>>) src(%dma_wait3A_904 : memref<1048576xi32, #tpu.memory_space<vmem_shared>>) dst(%dma_wait3A_901 : memref<64xi32, #tpu.memory_space<vmem>>)
    %get3A_905 = arith.constant 1 : i32
    %get3A_906 = arith.index_cast %get3A_905 : i32 to index
    %get3A_907 = arith.constant 0 : index
    %get3A_908 = tpu.vector_load %arg7[%get3A_906, %get3A_907] {strides = array<i32>} : memref<2x64xi32, #tpu.memory_space<vmem>>, vector<16xi32>,
    %jit3A_909 = arith.constant 0 : i32
    %jit3A_910 = arith.constant 16383 : i32
    %max3A_911 = vector.broadcast %jit3A_909 : i32 to vector<16xi32>
    %max3A_912 = arith.maxsi %max3A_911, %get3A_908 : vector<16xi32>
    %min3A_913 = vector.broadcast %jit3A_910 : i32 to vector<16xi32>
    %min3A_914 = arith.minsi %min3A_913, %max3A_912 : vector<16xi32>
    %swap3A_915 = arith.constant 1 : i32
    %swap3A_916 = arith.index_cast %swap3A_915 : i32 to index
    %swap3A_917 = arith.constant 0 : index
    %swap3A_918 = tpu.vector_load %arg7[%swap3A_916, %swap3A_917] {strides = array<i32>} : memref<2x64xi32, #tpu.memory_space<vmem>>, vector<16xi32>,
    tpu.vector_store %arg7[%swap3A_916, %swap3A_917], %min3A_914 {strides = array<i32>} : memref<2x64xi32, #tpu.memory_space<vmem>>, vector<16xi32>,
    %get3A_919 = arith.constant 1 : i32
    %get3A_920 = arith.index_cast %get3A_919 : i32 to index
    %get3A_921 = arith.constant 16 : index
    %get3A_922 = tpu.vector_load %arg7[%get3A_920, %get3A_921] {strides = array<i32>} : memref<2x64xi32, #tpu.memory_space<vmem>>, vector<16xi32>,
    %jit3A_923 = arith.constant 0 : i32
    %jit3A_924 = arith.constant 16383 : i32
    %max3A_925 = vector.broadcast %jit3A_923 : i32 to vector<16xi32>
    %max3A_926 = arith.maxsi %max3A_925, %get3A_922 : vector<16xi32>
    %min3A_927 = vector.broadcast %jit3A_924 : i32 to vector<16xi32>
    %min3A_928 = arith.minsi %min3A_927, %max3A_926 : vector<16xi32>
    %swap3A_929 = arith.constant 1 : i32
    %swap3A_930 = arith.index_cast %swap3A_929 : i32 to index
    %swap3A_931 = arith.constant 16 : index
    %swap3A_932 = tpu.vector_load %arg7[%swap3A_930, %swap3A_931] {strides = array<i32>} : memref<2x64xi32, #tpu.memory_space<vmem>>, vector<16xi32>,
    tpu.vector_store %arg7[%swap3A_930, %swap3A_931], %min3A_928 {strides = array<i32>} : memref<2x64xi32, #tpu.memory_space<vmem>>, vector<16xi32>,
    %get3A_933 = arith.constant 1 : i32
    %get3A_934 = arith.index_cast %get3A_933 : i32 to index
    %get3A_935 = arith.constant 32 : index
    %get3A_936 = tpu.vector_load %arg7[%get3A_934, %get3A_935] {strides = array<i32>} : memref<2x64xi32, #tpu.memory_space<vmem>>, vector<16xi32>,
    %jit3A_937 = arith.constant 0 : i32
    %jit3A_938 = arith.constant 16383 : i32
    %max3A_939 = vector.broadcast %jit3A_937 : i32 to vector<16xi32>
    %max3A_940 = arith.maxsi %max3A_939, %get3A_936 : vector<16xi32>
    %min3A_941 = vector.broadcast %jit3A_938 : i32 to vector<16xi32>
    %min3A_942 = arith.minsi %min3A_941, %max3A_940 : vector<16xi32>
    %swap3A_943 = arith.constant 1 : i32
    %swap3A_944 = arith.index_cast %swap3A_943 : i32 to index
    %swap3A_945 = arith.constant 32 : index
    %swap3A_946 = tpu.vector_load %arg7[%swap3A_944, %swap3A_945] {strides = array<i32>} : memref<2x64xi32, #tpu.memory_space<vmem>>, vector<16xi32>,
    tpu.vector_store %arg7[%swap3A_944, %swap3A_945], %min3A_942 {strides = array<i32>} : memref<2x64xi32, #tpu.memory_space<vmem>>, vector<16xi32>,
    %get3A_947 = arith.constant 1 : i32
    %get3A_948 = arith.index_cast %get3A_947 : i32 to index
    %get3A_949 = arith.constant 48 : index
    %get3A_950 = tpu.vector_load %arg7[%get3A_948, %get3A_949] {strides = array<i32>} : memref<2x64xi32, #tpu.memory_space<vmem>>, vector<16xi32>,
    %jit3A_951 = arith.constant 0 : i32
    %jit3A_952 = arith.constant 16383 : i32
    %max3A_953 = vector.broadcast %jit3A_951 : i32 to vector<16xi32>
    %max3A_954 = arith.maxsi %max3A_953, %get3A_950 : vector<16xi32>
    %min3A_955 = vector.broadcast %jit3A_952 : i32 to vector<16xi32>
    %min3A_956 = arith.minsi %min3A_955, %max3A_954 : vector<16xi32>
    %swap3A_957 = arith.constant 1 : i32
    %swap3A_958 = arith.index_cast %swap3A_957 : i32 to index
    %swap3A_959 = arith.constant 48 : index
    %swap3A_960 = tpu.vector_load %arg7[%swap3A_958, %swap3A_959] {strides = array<i32>} : memref<2x64xi32, #tpu.memory_space<vmem>>, vector<16xi32>,
    tpu.vector_store %arg7[%swap3A_958, %swap3A_959], %min3A_956 {strides = array<i32>} : memref<2x64xi32, #tpu.memory_space<vmem>>, vector<16xi32>,
    %dma_wait3A_961 = arith.constant 1 : i32
    %dma_wait3A_962 = arith.constant 0 : i32
    %dma_wait3A_963 = arith.constant 0 : i32
    %dma_wait3A_964 = tpu.memref_slice %arg8[%dma_wait3A_961, %dma_wait3A_962, %dma_wait3A_963] : memref<2x64x64xf32, #tpu.memory_space<vmem>> -> memref<1x64x64xf32, #tpu.memory_space<vmem>>
    %dma_wait3A_965 = tpu.memref_squeeze %dma_wait3A_964 : memref<1x64x64xf32, #tpu.memory_space<vmem>> -> memref<64x64xf32, #tpu.memory_space<vmem>>
    %dma_wait3A_966 = arith.constant 0 : i32
    %dma_wait3A_967 = tpu.memref_slice %arg4[%add3A_641, %dma_wait3A_966] : memref<16384x64xf32, #tpu.memory_space<hbm>> -> memref<64x64xf32, #tpu.memory_space<hbm>>
    %dma_wait3A_968 = arith.constant 0 : i32
    %dma_wait3A_969 = tpu.memref_slice %arg4[%add3A_641, %dma_wait3A_968] : memref<16384x64xf32, #tpu.memory_space<hbm>> -> memref<64x64xf32, #tpu.memory_space<hbm>>
    %dma_wait3A_970 = arith.constant 0 : i32
    %dma_wait3A_971 = arith.constant 0 : i32
    %dma_wait3A_972 = tpu.memref_slice %arg8[%dma_wait3A_961, %dma_wait3A_970, %dma_wait3A_971] : memref<2x64x64xf32, #tpu.memory_space<vmem>> -> memref<1x64x64xf32, #tpu.memory_space<vmem>>
    %dma_wait3A_973 = tpu.memref_squeeze %dma_wait3A_972 : memref<1x64x64xf32, #tpu.memory_space<vmem>> -> memref<64x64xf32, #tpu.memory_space<vmem>>
    tpu.wait_dma2 semaphore(%arg15 : memref<!tpu.dma_semaphore, #tpu.memory_space<semaphore_mem>>) src(%dma_wait3A_973 : memref<64x64xf32, #tpu.memory_space<vmem>>) dst(%dma_wait3A_969 : memref<64x64xf32, #tpu.memory_space<hbm>>)
    %dma_start3A_974 = arith.constant 1 : i32
    %dma_start3A_975 = arith.constant 1 : i32
    %dma_start3A_976 = arith.constant 0 : i32
    %dma_start3A_977 = arith.constant 0 : i32
    %dma_start3A_978 = tpu.memref_slice %arg8[%dma_start3A_975, %dma_start3A_976, %dma_start3A_977] : memref<2x64x64xf32, #tpu.memory_space<vmem>> -> memref<1x64x64xf32, #tpu.memory_space<vmem>>
    %dma_start3A_979 = tpu.memref_squeeze %dma_start3A_978 : memref<1x64x64xf32, #tpu.memory_space<vmem>> -> memref<64x64xf32, #tpu.memory_space<vmem>>
    %dma_start3A_980 = arith.constant 0 : i32
    %dma_start3A_981 = tpu.memref_slice %arg7[%dma_start3A_974, %dma_start3A_980] : memref<2x64xi32, #tpu.memory_space<vmem>> -> memref<1x64xi32, #tpu.memory_space<vmem>>
    %dma_start3A_982 = tpu.memref_squeeze %dma_start3A_981 : memref<1x64xi32, #tpu.memory_space<vmem>> -> memref<64xi32, #tpu.memory_space<vmem>>
    %dma_start3A_983 = arith.constant 0 : i32
    %dma_start3A_984 = arith.constant 0 : i32
    %dma_start3A_985 = tpu.memref_slice %arg2[%dma_start3A_983, %dma_start3A_984] : memref<16384x64xf32, #tpu.memory_space<hbm>> -> memref<16384x64xf32, #tpu.memory_space<hbm>>
    tpu.enqueue_indirect_dma source(%dma_start3A_985 : memref<16384x64xf32, #tpu.memory_space<hbm>>) target(%dma_start3A_979 : memref<64x64xf32, #tpu.memory_space<vmem>>) offsets(%dma_start3A_982 : memref<64xi32, #tpu.memory_space<vmem>>) semaphore(%arg13 : memref<!tpu.dma_semaphore, #tpu.memory_space<semaphore_mem>>)
    %dma_wait3A_986 = arith.constant 1 : i32
    %dma_wait3A_987 = arith.constant 1 : i32
    %dma_wait3A_988 = arith.constant 0 : i32
    %dma_wait3A_989 = arith.constant 0 : i32
    %dma_wait3A_990 = tpu.memref_slice %arg8[%dma_wait3A_987, %dma_wait3A_988, %dma_wait3A_989] : memref<2x64x64xf32, #tpu.memory_space<vmem>> -> memref<1x64x64xf32, #tpu.memory_space<vmem>>
    %dma_wait3A_991 = tpu.memref_squeeze %dma_wait3A_990 : memref<1x64x64xf32, #tpu.memory_space<vmem>> -> memref<64x64xf32, #tpu.memory_space<vmem>>
    %dma_wait3A_992 = arith.constant 0 : i32
    %dma_wait3A_993 = tpu.memref_slice %arg7[%dma_wait3A_986, %dma_wait3A_992] : memref<2x64xi32, #tpu.memory_space<vmem>> -> memref<1x64xi32, #tpu.memory_space<vmem>>
    %dma_wait3A_994 = tpu.memref_squeeze %dma_wait3A_993 : memref<1x64xi32, #tpu.memory_space<vmem>> -> memref<64xi32, #tpu.memory_space<vmem>>
    %dma_wait3A_995 = arith.constant 0 : i32
    %dma_wait3A_996 = arith.constant 0 : i32
    %dma_wait3A_997 = tpu.memref_slice %arg2[%dma_wait3A_995, %dma_wait3A_996] : memref<16384x64xf32, #tpu.memory_space<hbm>> -> memref<16384x64xf32, #tpu.memory_space<hbm>>
    tpu.wait_indirect_dma semaphore(%arg13 : memref<!tpu.dma_semaphore, #tpu.memory_space<semaphore_mem>>) src(%dma_wait3A_997 : memref<16384x64xf32, #tpu.memory_space<hbm>>) dst(%dma_wait3A_991 : memref<64x64xf32, #tpu.memory_space<vmem>>)
    %dma_start3A_998 = arith.constant 1 : i32
    %dma_start3A_999 = arith.constant 0 : i32
    %dma_start3A_1000 = arith.constant 0 : i32
    %dma_start3A_1001 = tpu.memref_slice %arg8[%dma_start3A_998, %dma_start3A_999, %dma_start3A_1000] : memref<2x64x64xf32, #tpu.memory_space<vmem>> -> memref<1x64x64xf32, #tpu.memory_space<vmem>>
    %dma_start3A_1002 = tpu.memref_squeeze %dma_start3A_1001 : memref<1x64x64xf32, #tpu.memory_space<vmem>> -> memref<64x64xf32, #tpu.memory_space<vmem>>
    %dma_start3A_1003 = arith.constant 0 : i32
    %dma_start3A_1004 = tpu.memref_slice %arg4[%add3A_897, %dma_start3A_1003] : memref<16384x64xf32, #tpu.memory_space<hbm>> -> memref<64x64xf32, #tpu.memory_space<hbm>>
    %dma_start3A_1005 = arith.constant 0 : i32
    %dma_start3A_1006 = tpu.memref_slice %arg4[%add3A_897, %dma_start3A_1005] : memref<16384x64xf32, #tpu.memory_space<hbm>> -> memref<64x64xf32, #tpu.memory_space<hbm>>
    %dma_start3A_1007 = arith.constant 0 : i32
    %dma_start3A_1008 = arith.constant 0 : i32
    %dma_start3A_1009 = tpu.memref_slice %arg8[%dma_start3A_998, %dma_start3A_1007, %dma_start3A_1008] : memref<2x64x64xf32, #tpu.memory_space<vmem>> -> memref<1x64x64xf32, #tpu.memory_space<vmem>>
    %dma_start3A_1010 = tpu.memref_squeeze %dma_start3A_1009 : memref<1x64x64xf32, #tpu.memory_space<vmem>> -> memref<64x64xf32, #tpu.memory_space<vmem>>
    tpu.enqueue_dma source(%dma_start3A_1010 : memref<64x64xf32, #tpu.memory_space<vmem>>) target(%dma_start3A_1006 : memref<64x64xf32, #tpu.memory_space<hbm>>) target_semaphore(%arg15 : memref<!tpu.dma_semaphore, #tpu.memory_space<semaphore_mem>>)
    %dma_wait3A_1011 = arith.constant 0 : i32
    %dma_wait3A_1012 = arith.constant 0 : i32
    %dma_wait3A_1013 = arith.constant 0 : i32
    %dma_wait3A_1014 = tpu.memref_slice %arg8[%dma_wait3A_1011, %dma_wait3A_1012, %dma_wait3A_1013] : memref<2x64x64xf32, #tpu.memory_space<vmem>> -> memref<1x64x64xf32, #tpu.memory_space<vmem>>
    %dma_wait3A_1015 = tpu.memref_squeeze %dma_wait3A_1014 : memref<1x64x64xf32, #tpu.memory_space<vmem>> -> memref<64x64xf32, #tpu.memory_space<vmem>>
    %dma_wait3A_1016 = arith.constant 0 : i32
    %dma_wait3A_1017 = tpu.memref_slice %arg4[%add3A_769, %dma_wait3A_1016] : memref<16384x64xf32, #tpu.memory_space<hbm>> -> memref<64x64xf32, #tpu.memory_space<hbm>>
    %dma_wait3A_1018 = arith.constant 0 : i32
    %dma_wait3A_1019 = tpu.memref_slice %arg4[%add3A_769, %dma_wait3A_1018] : memref<16384x64xf32, #tpu.memory_space<hbm>> -> memref<64x64xf32, #tpu.memory_space<hbm>>
    %dma_wait3A_1020 = arith.constant 0 : i32
    %dma_wait3A_1021 = arith.constant 0 : i32
    %dma_wait3A_1022 = tpu.memref_slice %arg8[%dma_wait3A_1011, %dma_wait3A_1020, %dma_wait3A_1021] : memref<2x64x64xf32, #tpu.memory_space<vmem>> -> memref<1x64x64xf32, #tpu.memory_space<vmem>>
    %dma_wait3A_1023 = tpu.memref_squeeze %dma_wait3A_1022 : memref<1x64x64xf32, #tpu.memory_space<vmem>> -> memref<64x64xf32, #tpu.memory_space<vmem>>
    tpu.wait_dma2 semaphore(%arg14 : memref<!tpu.dma_semaphore, #tpu.memory_space<semaphore_mem>>) src(%dma_wait3A_1023 : memref<64x64xf32, #tpu.memory_space<vmem>>) dst(%dma_wait3A_1019 : memref<64x64xf32, #tpu.memory_space<hbm>>)
    %dma_wait3A_1024 = arith.constant 1 : i32
    %dma_wait3A_1025 = arith.constant 0 : i32
    %dma_wait3A_1026 = arith.constant 0 : i32
    %dma_wait3A_1027 = tpu.memref_slice %arg8[%dma_wait3A_1024, %dma_wait3A_1025, %dma_wait3A_1026] : memref<2x64x64xf32, #tpu.memory_space<vmem>> -> memref<1x64x64xf32, #tpu.memory_space<vmem>>
    %dma_wait3A_1028 = tpu.memref_squeeze %dma_wait3A_1027 : memref<1x64x64xf32, #tpu.memory_space<vmem>> -> memref<64x64xf32, #tpu.memory_space<vmem>>
    %dma_wait3A_1029 = arith.constant 0 : i32
    %dma_wait3A_1030 = tpu.memref_slice %arg4[%add3A_897, %dma_wait3A_1029] : memref<16384x64xf32, #tpu.memory_space<hbm>> -> memref<64x64xf32, #tpu.memory_space<hbm>>
    %dma_wait3A_1031 = arith.constant 0 : i32
    %dma_wait3A_1032 = tpu.memref_slice %arg4[%add3A_897, %dma_wait3A_1031] : memref<16384x64xf32, #tpu.memory_space<hbm>> -> memref<64x64xf32, #tpu.memory_space<hbm>>
    %dma_wait3A_1033 = arith.constant 0 : i32
    %dma_wait3A_1034 = arith.constant 0 : i32
    %dma_wait3A_1035 = tpu.memref_slice %arg8[%dma_wait3A_1024, %dma_wait3A_1033, %dma_wait3A_1034] : memref<2x64x64xf32, #tpu.memory_space<vmem>> -> memref<1x64x64xf32, #tpu.memory_space<vmem>>
    %dma_wait3A_1036 = tpu.memref_squeeze %dma_wait3A_1035 : memref<1x64x64xf32, #tpu.memory_space<vmem>> -> memref<64x64xf32, #tpu.memory_space<vmem>>
    tpu.wait_dma2 semaphore(%arg15 : memref<!tpu.dma_semaphore, #tpu.memory_space<semaphore_mem>>) src(%dma_wait3A_1036 : memref<64x64xf32, #tpu.memory_space<vmem>>) dst(%dma_wait3A_1032 : memref<64x64xf32, #tpu.memory_space<hbm>>)
    return
  }
}

</mosaic_0001>

<sc_bundles>
// kernel: kernel.3.cloned.1.call-start
scs
__scs_entry_jumppad:
0x0: {  	(pc) =	sbr.rel $0x88, $3  }
0x1: {  	(tag) =	ssettag $0x0;
	lr =	simm.s32 $0x1  }
0x2: {  	[smem:$0x3F9F] =	sst lr;
	_ =	strace $0xD0000000  }
0x3: {  	_ = 	snop  }
0x4: {  	_ = 	snop  }
0x5: {  	_ = 	snop  }
0x6: {  	_ = 	snop  }
0x7: {  	_ = 	snop  }
__scs_overlays_trampoline_lowered:
0x8: {  	[smem:$0x3FAE] =	sst s0  }
0x9: {  	[smem:$0x3FAF] =	sst s1  }
0xa: {  	[smem:$0x3FB0] =	sst s2  }
0xb: {  	[smem:$0x3FB1] =	sst s3  }
0xc: {  	[smem:$0x3FB2] =	sst s4  }
0xd: {  	[smem:$0x3FB3] =	sst s5  }
0xe: {  	[smem:$0x3FB4] =	sst s6  }
0xf: {  	[smem:$0x3FB5] =	sst s7  }
0x10: {  	[smem:$0x3FB6] =	sst s8  }
0x11: {  	[smem:$0x3FB7] =	sst s9;
	s0 =	simm.s32 @!p0 $0x0  }
0x12: {  	s1 =	sld [smem:$0x3F9D];
	s0 =	simm.s32 @p0 $0x1  }
0x13: {  	[smem:$0x3FB8] =	sst s0;
	s0 =	simm.s32 @!p1 $0x0  }
0x14: {  	s2 =	sld [smem:$0x3F9C];
	s0 =	simm.s32 @p1 $0x1  }
0x15: {  	[smem:$0x3FB9] =	sst s0;
	s0 =	simm.s32 @!p2 $0x0  }
0x16: {  	s3 =	sld [smem:$0x3FDB];
	s0 =	simm.s32 @p2 $0x1  }
0x17: {  	s4 =	simm.s32 $0x1BF5;
	[smem:$0x3FBB] =	sst s0  }
0x18: {  	s0 =	sld [smem:$0x3F9E];
	_ =	swait.ge [sflag:s4], $0x0  }
0x19: {  	s7 =	sld [smem:$0x3F9F]  }
0x1a: {  	s8 =	sadd.s32 $0xFFFFE003, lr  }
0x1b: {  	s9 =	sadd.s32 $0xFFFFFEF7, lr;
	s5 =	simm.s32 $0xFFFFFFFF;
	p2 =	slt.u32 s8, $0xFFFFF086  }
0x1c: {  	p1 =	slt.u32 s9, $0xF7A;
	s5 =	simm.s32 @!p2 $0x0  }
0x1d: {  	s5 =	simm.s32 @p1 $0x1;
	p0 =	seq.s32 s7, s2  }
0x1e: {  	s7 =	smul.u32 @!p0 $0xF7A, s2;
	p2 =	seq.s32 @!p0 s5, $0x0  }
0x1f: {  	s9 =	smul.u32 $0xF7A, s1;
	s8 =	simm.s32 @!p0 $0x1BF5;
	p2 =	por !p2, p0  }
0x20: {  	[sflag:s8] =	ssyncset.s32 @!p0 $0xFFFFF086;
	s6 =	sadd.s32 @!p0 s3, s7;
	s7 =	simm.s32 @!p0 $0x108  }
0x21: {  	s3 =	sadd.s32 s3, s9;
	s6 =	sadd.s32 @!p0 $0x88, s6;
	s7 =	simm.s32 @p2 $0x1082  }
0x22: {  	[simem:s7], [sflag:s8] =	dma.local @!p0 [hbm:s6], $0xF7A  }
0x23: {  	s9 =	sor.u32 $0xD0000000, s2;
	s6 =	simm.s32 $0x108;
	_ =	swait.ge @!p0 [sflag:s8], $0x0  }
0x24: {  	s3 =	sadd.s32 $0x88, s3;
	s6 =	simm.s32 @!p1 $0x1082;
	[sflag:s4] =	ssyncset.s32 $0xFFFFF086  }
0x25: {  	[simem:s6], [sflag:s4] =	dma.local [hbm:s3], $0xF7A  }
0x26: {  	[smem:$0x3F9F] =	sst s1;
	(tag) =	ssettag s2;
	_ =	strace s9  }
0x27: {  	s1 =	sld [smem:$0x3FAF]  }
0x28: {  	s2 =	sld [smem:$0x3FB0]  }
0x29: {  	s4 =	sld [smem:$0x3FB2]  }
0x2a: {  	p0 =	seq.s32 s5, $0x0;
	s5 =	sld [smem:$0x3FB3]  }
0x2b: {  	s6 =	sld [smem:$0x3FB4]  }
0x2c: {  	s7 =	sld [smem:$0x3FB5]  }
0x2d: {  	s3 =	simm.s32 $0x108;
	s8 =	sld [smem:$0x3FB6]  }
0x2e: {  	s3 =	simm.s32 @!p0 $0x1082;
	s9 =	sld [smem:$0x3FB7]  }
0x2f: {  	lr =	sadd.s32 s0, s3;
	s0 =	sld [smem:$0x3FAE]  }
0x30: {  	s3 =	sld [smem:$0x3FB1]  }
0x31: {  	[smem:$0x3FBA] =	sst s10  }
0x32: {  	s10 =	sld [smem:$0x3FB8];
	_ =	sdelay $0x3  }
0x33: {  	p0 =	seq.s32 s10, $0x1;
	s10 =	sld [smem:$0x3FBA];
	_ =	sdelay $0x3  }
0x34: {  	[smem:$0x3FBA] =	sst s10  }
0x35: {  	s10 =	sld [smem:$0x3FB9];
	_ =	sdelay $0x3  }
0x36: {  	p1 =	seq.s32 s10, $0x1;
	s10 =	sld [smem:$0x3FBA];
	_ =	sdelay $0x3  }
0x37: {  	[smem:$0x3FBA] =	sst s10  }
0x38: {  	s10 =	sld [smem:$0x3FBB]  }
0x39: {  	_ = 	snop;
	(pc) =	sbr.ind lr, $3  }
0x3a: {  	_ = 	snop  }
0x3b: {  	_ = 	snop  }
0x3c: {  	p2 =	seq.s32 s10, $0x1;
	s10 =	sld [smem:$0x3FBA]  }
0x3d: {  	_ =	shalt  }
0x3e: {  	_ =	shalt  }
0x3f: {  	_ =	shalt  }
0x40: {  	_ =	shalt  }
0x41: {  	_ =	shalt  }
0x42: {  	_ =	shalt  }
0x43: {  	_ =	shalt  }
0x44: {  	_ =	shalt  }
0x45: {  	_ =	shalt  }
0x46: {  	_ =	shalt  }
0x47: {  	_ =	shalt  }
0x48: {  	_ =	shalt  }
0x49: {  	_ =	shalt  }
0x4a: {  	_ =	shalt  }
0x4b: {  	_ =	shalt  }
0x4c: {  	_ =	shalt  }
0x4d: {  	_ =	shalt  }
0x4e: {  	_ =	shalt  }
0x4f: {  	_ =	shalt  }
0x50: {  	_ =	shalt  }
0x51: {  	_ =	shalt  }
0x52: {  	_ =	shalt  }
0x53: {  	_ =	shalt  }
0x54: {  	_ =	shalt  }
0x55: {  	_ =	shalt  }
0x56: {  	_ =	shalt  }
0x57: {  	_ =	shalt  }
0x58: {  	_ =	shalt  }
0x59: {  	_ =	shalt  }
0x5a: {  	_ =	shalt  }
0x5b: {  	_ =	shalt  }
0x5c: {  	_ =	shalt  }
0x5d: {  	_ =	shalt  }
0x5e: {  	_ =	shalt  }
0x5f: {  	_ =	shalt  }
0x60: {  	_ =	shalt  }
0x61: {  	_ =	shalt  }
0x62: {  	_ =	shalt  }
0x63: {  	_ =	shalt  }
0x64: {  	_ =	shalt  }
0x65: {  	_ =	shalt  }
0x66: {  	_ =	shalt  }
0x67: {  	_ =	shalt  }
0x68: {  	_ =	shalt  }
0x69: {  	_ =	shalt  }
0x6a: {  	_ =	shalt  }
0x6b: {  	_ =	shalt  }
0x6c: {  	_ =	shalt  }
0x6d: {  	_ =	shalt  }
0x6e: {  	_ =	shalt  }
0x6f: {  	_ =	shalt  }
0x70: {  	_ =	shalt  }
0x71: {  	_ =	shalt  }
0x72: {  	_ =	shalt  }
0x73: {  	_ =	shalt  }
0x74: {  	_ =	shalt  }
0x75: {  	_ =	shalt  }
0x76: {  	_ =	shalt  }
0x77: {  	_ =	shalt  }
0x78: {  	_ =	shalt  }
0x79: {  	_ =	shalt  }
0x7a: {  	_ =	shalt  }
0x7b: {  	_ =	shalt  }
0x7c: {  	_ =	shalt  }
0x7d: {  	_ =	shalt  }
0x7e: {  	_ =	shalt  }
0x7f: {  	_ =	shalt  }
0x80: {  	_ =	shalt  }
0x81: {  	_ =	shalt  }
0x82: {  	_ =	shalt  }
0x83: {  	_ =	shalt  }
0x84: {  	_ =	shalt  }
0x85: {  	_ =	shalt  }
0x86: {  	_ =	shalt  }
0x87: {  	_ =	shalt  }
.Lfunc_end0:
.L_simem_size_0:
called_computation_lowered:
.L_overlay_start_0:
0x88: {  	s2 =	sld [smem:$0x3FD9]  }
0x89: {  	s3 =	sld [smem:$0x3FFE];
	_ =	sdelay $0x1  }
0x8a: {  	s1 =	srdreg.scid  }
0x8b: {  	s0 =	sand.u32 $0x1, s1  }
0x8c: {  	s17 =	sshll.u32 s0, $0xA;
	s2 =	sadd.s32 s3, s2  }
0x8d: {  	s2 =	sadd.s32 s2, s17  }
0x8e: {  	[smem:$0x3FC6] =	sst s2  }
0x8f: {  	_ = 	snop  }
0x90: {  	s2 =	sld [smem:$0x3FC8]  }
0x91: {  	s18 =	sld [smem:$0x3FD0];
	(tm) =	ssettm $0x1  }
0x92: {  	s4 =	sld [smem:$0x3FFB];
	_ =	sdelay $0x3  }
0x93: {  	_ =	strace s4  }
0x94: {  	s4 =	sld [smem:$0x3FFC];
	_ =	sdelay $0x3  }
0x95: {  	_ =	strace s4  }
0x96: {  	s4 =	sld [smem:$0x3FFD];
	_ =	sdelay $0x3  }
0x97: {  	_ =	strace s4  }
0x98: {  	_ =	strace $0x8FFFFFFF  }
0x99: {  	s19 =	sld [smem:$0x3FDB];
	_ =	sdelay $0x1  }
0x9a: {  	s5 =	simm.s32 $_scs_section_size  }
0x9b: {  	s6 =	simm.s32 $_size__tile_overlayer_lowered;
	s7 =	simm.s32 $_tile_overlayer_lowered  }
0x9c: {  	s22 =	simm.s32 $0x1BFF;
	s21 =	sshll.u32 s7, $0x1;
	s4 =	sadd.s32 s5, s19  }
0x9d: {  	s8 =	simm.s32 $0x0;
	s20 =	sshll.u32 s6, $0x1;
	s6 =	sadd.s32 s21, s4  }
0x9e: {  	[timem:s8], [sflag:s22] =	dma.local [hbm:s6], s20  }
0x9f: {  	_ =	swait.ge [sflag:s22], s20  }
0xa0: {  	s5 =	ssub.s32 $0x0, s20;
	[sflag:s22] =	ssyncset.done $0x0  }
0xa1: {  	[sflag:s22] =	ssyncadd.s32 s5;
	_ =	sdelay $0x1  }
0xa2: {  	s23 =	simm.s32 $0x1B8B  }
0xa3: {  	_ =	swait.ge [sflag:s23], $0x1  }
0xa4: {  	[sflag:s23] =	ssyncset.done $0x0  }
0xa5: {  	s25 =	simm.s32 $0x1B8E;
	s24 =	sld [smem:$0x3FFE];
	[sflag:s23] =	ssyncadd.s32 $0xFFFFFFFF  }
0xa6: {  	s26 =	simm.s32 $execute0_lowered;
	[smem:$0x3FD2] =	sst s25  }
0xa7: {  	s6 =	sshll.u32 s26, $0x1;
	_ =	strace $0x80000046;
	[dreg:$0x1] =	wrdreg $0xFFFFFFFF  }
0xa8: {  	s28 =	simm.s32 $_size_execute0_lowered;
	s4 =	sadd.s32 s4, s6;
	[dreg:$0x0] =	wrdreg $0x0  }
0xa9: {  	s6 =	sshll.u32 s28, $0x1;
	[dreg:$0x2] =	wrdreg s4  }
0xaa: {  	[dreg:$0x3] =	wrdreg s6  }
0xab: {  	[dreg:$0x4] =	wrdreg $0xC0  }
0xac: {  	_ =	task [dreg:s8], $0x5FFFF  }
0xad: {  	[dreg:$0x1] =	wrdreg $0xFFFFFFFF  }
0xae: {  	[dreg:$0x0] =	wrdreg $0x60  }
0xaf: {  	[dreg:$0x2] =	wrdreg s18  }
0xb0: {  	[dreg:$0x3] =	wrdreg s2  }
0xb1: {  	[dreg:$0x4] =	wrdreg s24  }
0xb2: {  	[dreg:$0x5] =	wrdreg $0xE0800  }
0xb3: {  	[dreg:$0x6] =	wrdreg $0x9  }
0xb4: {  	_ =	task.clear_ibuf [dreg:s8], $0x7FFFF;
	_ =	strace $0x90000046  }
0xb5: {  	s29 =	simm.s32 $0x9;
	_ =	strace $0x80000048  }
0xb6: {  	_ =	swait.ge [sflag:s29], $0x1  }
0xb7: {  	[sflag:s29] =	ssyncadd.s32 $0xFFFFFFFF  }
0xb8: {  	_ =	strace $0x90000048  }
0xb9: {  	_ =	sfence  }
0xba: {  	s30 =	sld [smem:$0x0];
	_ =	sdelay $0x2  }
0xbb: {  	s31 =	sshll.u32 s1, $0xD;
	s1 =	sshrl.u32 s1, $0x2  }
0xbc: {  	s3 =	sand.u32 $0x4000, s31;
	s1 =	sadd.s32 s1, s30  }
0xbd: {  	s0 =	sor.u32 s3, s0;
	s1 =	sshll.u32 s1, $0x11  }
0xbe: {  	s0 =	sor.u32 s1, s0  }
0xbf: {  	s0 =	sadd.s32 $0x8F2B, s0  }
0xc0: {  	[sflag:s0] =	ssyncadd.remote.s32 $0x1  }
0xc1: {  	_ =	sfence.sel $0xFFFF  }
0xc2: {  	[dreg:$0x0] =	wrdreg $0xFFFFFFFF;
	(pc) =	sbr.abs _section_cstart, $3  }
0xc3: {  	[dreg:$0x1] =	wrdreg $0xFFFFFFFF  }
0xc4: {  	_ =	task.clear_ibuf [dreg:s8], $0x2FFFF;
	_ =	strace $0x9FFFFFFF  }
0xc5: {  	(tm) =	ssettm $0x7FFFFFFF  }
tec
execute0_lowered:
.L_overlay_start_1:
0x0: {  	(tag) =	ssettag $0x1  }
0x1: {  	s1 =	rddreg [dreg:$0x0]  }
0x2: {  	s0 =	rddreg [dreg:$0x2]  }
0x3: {  	s3 =	rddreg [dreg:$0x3]  }
0x4: {  	s4 =	simm.s32 $0x0;
	s2 =	srdreg.scid;
	s8 =	stileid.u32  }
0x5: {  	s28 =	simm.s32 $0x40;
	s29 =	simm.s32 $0xC000;
	s30 =	simm.s32 $0x1  }
0x6: {  	s31 =	simm.s32 $0xC040;
	s14 =	simm.s32 $0x6;
	[smem:$0x7FF] =	sst s4  }
0x7: {  	s2 =	sand.u32 $0x1, s2;
	s7 =	sshll.u32 s8, $0xA;
	s0 =	sadd.s32 $0x400, s0  }
0x8: {  	s15 =	sshll.u32 s8, $0x10;
	s8 =	simm.s32 $0xD080;
	_ =	strace $0x80000047  }
0x9: {  	s5 =	ssub.s32 $0x2, s2;
	s2 =	sshll.u32 s2, $0x9;
	s9 =	sadd.s32 s15, s3  }
0xa: {  	s11 =	sor.u32 $0x8000, s15;
	v0 =	vmov s15;
	s15 =	simm.s32 $0x0;
	s6 =	sshrl.u32 s5, $0x1  }
0xb: {  	[dreg:$0x6] =	wrdreg s9;
	s5 =	ssub.s32 s5, s6;
	s6 =	sor.u32 s2, s7  }
0xc: {  	s9 =	simm.s32 $0x4;
	s17 =	sor.u32 $0x40, s6;
	s2 =	sshll.u32 s6, $0x3  }
0xd: {  	s19 =	sor.u32 $0x80, s6;
	s12 =	sor.u32 $0xC0, s6;
	s13 =	sor.u32 $0x100, s6  }
0xe: {  	s16 =	sor.u32 $0x140, s6;
	s2 =	sadd.s32 s0, s2;
	[dreg:$0x5] =	wrdreg s17  }
0xf: {  	s18 =	sshll.u32 s17, $0x3;
	[dreg:$0x8] =	wrdreg s19;
	s20 =	sshll.u32 s19, $0x3  }
0x10: {  	s21 =	sshll.u32 s12, $0x3;
	s23 =	sshll.u32 s13, $0x3;
	s24 =	sshll.u32 s16, $0x3  }
0x11: {  	s19 =	sor.u32 $0x1C0, s6;
	[dreg:$0x7] =	wrdreg s2;
	s2 =	sadd.s32 s0, s18  }
0x12: {  	s22 =	sadd.s32 s0, s21;
	s18 =	sor.u32 $0x180, s6;
	[dreg:$0x9] =	wrdreg s2  }
0x13: {  	s26 =	sshll.u32 s19, $0x3;
	s2 =	sadd.s32 s0, s20;
	[dreg:$0xb] =	wrdreg s22  }
0x14: {  	s25 =	sshll.u32 s18, $0x3;
	s20 =	sadd.s32 s0, s24;
	s22 =	sadd.s32 s0, s26  }
0x15: {  	v1 =	vmov s11;
	s24 =	sadd.s32 s11, s3;
	s26 =	simm.s32 $0x4000;
	s11 =	simm.s32 $0x5  }
0x16: {  	[dreg:$0xa] =	wrdreg s2;
	s2 =	sadd.s32 s0, s23;
	s21 =	sadd.s32 s0, s25  }
0x17: {  	s23 =	smax.u32 s5, $0x1;
	s25 =	simm.s32 $0x7;
	s0 =	simm.s32 $0xC080  }
0x18: {  	v2 =	vlaneseq.u32;
	s5 =	simm.s32 $0x3;
	[dreg:$0xc] =	wrdreg s2;
	s2 =	simm.s32 $0x2  }
.LBB2_1:
0x19: {  	s7 =	rddreg [dreg:$0x1]  }
0x1a: {  	[tilespmem:s4], [sflag:$0x7] =	stream.linear.gather [hbm4b:s7+s4], $0x4000, $0x38;
	[tilespmem:$0x1E080] =	vst v63  }
0x1b: {  	_ =	swait.ge [sflag:s25], $0x4000  }
0x1c: {  	[sflag:s25] =	ssyncset.done $0x0  }
0x1d: {  	s17 =	simm.s32 $0x0;
	s7 =	simm.s32 $0x20;
	[sflag:s25] =	ssyncadd.s32 $0xFFFFC000  }
.LBB2_2:
0x1e: {  	v3 =	vld [tilespmem:s7+$0xFFFFFFE0];
	_ =	sdelay $0x4  }
0x1f: {  	(xrf1) =	vunique.msk.u32 $0xffff, v3;
	_ =	sdelay $0xc  }
0x20: {  	v4 =	vsub.s32 v3, v0  }
0x21: {  	vm1 =	vlt.u32 v4, $0x8000;
	_, v5, vm0 =	vpop (xrf1)  }
0x22: {  	v3 =	vand.u32 $0x7, v3;
	v4 =	vand.u32 $0xFFFFFFF8, v4;
	vm0 =	vmand vm0, vm1  }
0x23: {  	v3 =	vor.u32 v3, v4;
	_ =	sdelay $0x3  }
0x24: {  	v57 =	vor.u32 s17, v2  }
0x25: {  	[tilespmem:v3+s26+$0x0] =	vst.idx.msk vm0, v57  }
0x26: {  	v3 =	vld [tilespmem:s7+$0xFFFFFFF0];
	_ =	sdelay $0x4  }
0x27: {  	(xrf1) =	vunique.msk.u32 $0xffff, v3;
	_ =	sdelay $0xc  }
0x28: {  	v58 =	vsub.s32 v3, v0  }
0x29: {  	vm11 =	vlt.u32 v58, $0x8000;
	_, v5, vm10 =	vpop (xrf1)  }
0x2a: {  	v3 =	vand.u32 $0x7, v3;
	v4 =	vand.u32 $0xFFFFFFF8, v58;
	vm0 =	vmand vm10, vm11  }
0x2b: {  	v3 =	vor.u32 v3, v4;
	_ =	sdelay $0x2  }
0x2c: {  	s10 =	sadd.s32 $0x10, s17  }
0x2d: {  	v59 =	vor.u32 s10, v2  }
0x2e: {  	[tilespmem:v3+s26+$0x0] =	vst.idx.msk vm0, v59  }
0x2f: {  	v3 =	vld [tilespmem:s7+$0x0];
	_ =	sdelay $0x4  }
0x30: {  	(xrf1) =	vunique.msk.u32 $0xffff, v3;
	_ =	sdelay $0xc  }
0x31: {  	v60 =	vsub.s32 v3, v0  }
0x32: {  	vm13 =	vlt.u32 v60, $0x8000;
	_, v5, vm12 =	vpop (xrf1)  }
0x33: {  	v3 =	vand.u32 $0x7, v3;
	v4 =	vand.u32 $0xFFFFFFF8, v60;
	vm0 =	vmand vm12, vm13  }
0x34: {  	v3 =	vor.u32 v3, v4;
	_ =	sdelay $0x2  }
0x35: {  	s10 =	sadd.s32 $0x20, s17  }
0x36: {  	v61 =	vor.u32 s10, v2  }
0x37: {  	[tilespmem:v3+s26+$0x0] =	vst.idx.msk vm0, v61  }
0x38: {  	v3 =	vld [tilespmem:s7+$0x10];
	_ =	sdelay $0x4  }
0x39: {  	(xrf1) =	vunique.msk.u32 $0xffff, v3;
	_ =	sdelay $0xc  }
0x3a: {  	v62 =	vsub.s32 v3, v0  }
0x3b: {  	vm15 =	vlt.u32 v62, $0x8000;
	_, v5, vm14 =	vpop (xrf1)  }
0x3c: {  	v3 =	vand.u32 $0x7, v3;
	v4 =	vand.u32 $0xFFFFFFF8, v62;
	vm0 =	vmand vm14, vm15  }
0x3d: {  	p0 =	sne.s32 s17, $0x3FC0;
	v3 =	vor.u32 v3, v4  }
.Ltmp0:
0x3e: {  	_ = 	snop;
	(pc) =	sbr.rel @p0 .LBB2_2-.Ltmp0, $4  }
0x3f: {  	_ = 	snop  }
0x40: {  	s10 =	sadd.s32 $0x30, s17  }
0x41: {  	v63 =	vor.u32 s10, v2  }
0x42: {  	s17 =	sadd.s32 $0x40, s17;
	s7 =	sadd.s32 $0x40, s7;
	[tilespmem:v3+s26+$0x0] =	vst.idx.msk vm0, v63  }
0x43: {  	s7 =	rddreg [dreg:$0x6]  }
0x44: {  	[spmem:s7] =	stream.linear.scatter [tilespmem:s26], [sflag:$0x7], $0x8000, $0x38;
	[tilespmem:$0x1E080] =	vst v63  }
0x45: {  	_ =	swait.ge [sflag:s25], $0x8000  }
0x46: {  	[sflag:s25] =	ssyncset.done $0x0  }
0x47: {  	s17 =	simm.s32 $0x20;
	s7 =	simm.s32 $0x0;
	[sflag:s25] =	ssyncadd.s32 $0xFFFF8000  }
.LBB2_4:
0x48: {  	v3 =	vld [tilespmem:s17+$0xFFFFFFE0];
	_ =	sdelay $0x4  }
0x49: {  	(xrf1) =	vunique.msk.u32 $0xffff, v3;
	_ =	sdelay $0xc  }
0x4a: {  	v4 =	vsub.s32 v3, v1  }
0x4b: {  	vm1 =	vlt.u32 v4, $0x8000;
	_, v5, vm0 =	vpop (xrf1)  }
0x4c: {  	v3 =	vand.u32 $0x7, v3;
	v4 =	vand.u32 $0xFFFFFFF8, v4;
	vm0 =	vmand vm0, vm1  }
0x4d: {  	v3 =	vor.u32 v3, v4;
	_ =	sdelay $0x3  }
0x4e: {  	v57 =	vor.u32 s7, v2  }
0x4f: {  	[tilespmem:v3+s26+$0x0] =	vst.idx.msk vm0, v57  }
0x50: {  	v3 =	vld [tilespmem:s17+$0xFFFFFFF0];
	_ =	sdelay $0x4  }
0x51: {  	(xrf1) =	vunique.msk.u32 $0xffff, v3;
	_ =	sdelay $0xc  }
0x52: {  	v58 =	vsub.s32 v3, v1  }
0x53: {  	vm11 =	vlt.u32 v58, $0x8000;
	_, v5, vm10 =	vpop (xrf1)  }
0x54: {  	v3 =	vand.u32 $0x7, v3;
	v4 =	vand.u32 $0xFFFFFFF8, v58;
	vm0 =	vmand vm10, vm11  }
0x55: {  	v3 =	vor.u32 v3, v4;
	_ =	sdelay $0x2  }
0x56: {  	s10 =	sadd.s32 $0x10, s7  }
0x57: {  	v59 =	vor.u32 s10, v2  }
0x58: {  	[tilespmem:v3+s26+$0x0] =	vst.idx.msk vm0, v59  }
0x59: {  	v3 =	vld [tilespmem:s17+$0x0];
	_ =	sdelay $0x4  }
0x5a: {  	(xrf1) =	vunique.msk.u32 $0xffff, v3;
	_ =	sdelay $0xc  }
0x5b: {  	v60 =	vsub.s32 v3, v1  }
0x5c: {  	vm13 =	vlt.u32 v60, $0x8000;
	_, v5, vm12 =	vpop (xrf1)  }
0x5d: {  	v3 =	vand.u32 $0x7, v3;
	v4 =	vand.u32 $0xFFFFFFF8, v60;
	vm0 =	vmand vm12, vm13  }
0x5e: {  	v3 =	vor.u32 v3, v4;
	_ =	sdelay $0x2  }
0x5f: {  	s10 =	sadd.s32 $0x20, s7  }
0x60: {  	v61 =	vor.u32 s10, v2  }
0x61: {  	[tilespmem:v3+s26+$0x0] =	vst.idx.msk vm0, v61  }
0x62: {  	v3 =	vld [tilespmem:s17+$0x10];
	_ =	sdelay $0x4  }
0x63: {  	(xrf1) =	vunique.msk.u32 $0xffff, v3;
	_ =	sdelay $0xc  }
0x64: {  	v62 =	vsub.s32 v3, v1  }
0x65: {  	vm15 =	vlt.u32 v62, $0x8000;
	_, v5, vm14 =	vpop (xrf1)  }
0x66: {  	v3 =	vand.u32 $0x7, v3;
	v4 =	vand.u32 $0xFFFFFFF8, v62;
	vm0 =	vmand vm14, vm15  }
0x67: {  	p0 =	sne.s32 s7, $0x3FC0;
	v3 =	vor.u32 v3, v4  }
.Ltmp1:
0x68: {  	_ = 	snop;
	(pc) =	sbr.rel @p0 .LBB2_4-.Ltmp1, $4  }
0x69: {  	_ = 	snop  }
0x6a: {  	s10 =	sadd.s32 $0x30, s7  }
0x6b: {  	v63 =	vor.u32 s10, v2  }
0x6c: {  	s7 =	sadd.s32 $0x40, s7;
	s17 =	sadd.s32 $0x40, s17;
	[tilespmem:v3+s26+$0x0] =	vst.idx.msk vm0, v63  }
0x6d: {  	[spmem:s24] =	stream.linear.scatter [tilespmem:s26], [sflag:$0x7], $0x8000, $0x38;
	[tilespmem:$0x1E080] =	vst v63  }
0x6e: {  	_ =	swait.ge [sflag:s25], $0x8000  }
0x6f: {  	[sflag:s25] =	ssyncset.done $0x0  }
0x70: {  	[sflag:s25] =	ssyncadd.s32 $0xFFFF8000  }
0x71: {  	[bflag:$0x0] =	sbarrier.arrive $0xFFFF  }
0x72: {  	[tilespmem:s29], [sflag:$0x1] =	stream.indirect.gather [spmem:s3], $0x1, s6, s28, $0xb8;
	[tilespmem:$0x1E080] =	vst v63  }
0x73: {  	_ =	swait.ge [sflag:s30], $0x40  }
0x74: {  	[sflag:s30] =	ssyncset.done $0x0  }
0x75: {  	[sflag:s30] =	ssyncadd.s32 $0xFFFFFFC0  }
0x76: {  	v3 =	vld [tilespmem:$0xC000]  }
0x77: {  	v4 =	vld [tilespmem:$0xC010]  }
0x78: {  	v5 =	vld [tilespmem:$0xC020]  }
0x79: {  	v6 =	vld [tilespmem:$0xC030];
	_ =	sdelay $0x1  }
0x7a: {  	vm0 =	vgt.s32 v3, $0x0  }
0x7b: {  	vm9 =	vgt.s32 v4, $0x0;
	v3 =	vnsel vm0, $0x0, v3  }
0x7c: {  	vm10 =	vgt.s32 v5, $0x0;
	v4 =	vnsel vm9, $0x0, v4;
	v3 =	vmin.u32 v3, $0x3FFF  }
0x7d: {  	vm11 =	vgt.s32 v6, $0x0;
	v28 =	vnsel vm10, $0x0, v5;
	[tilespmem:$0xC000] =	vst v3;
	v3 =	vmin.u32 v4, $0x3FFF  }
0x7e: {  	v29 =	vnsel vm11, $0x0, v6;
	[tilespmem:$0xC010] =	vst v3;
	v3 =	vmin.u32 v28, $0x3FFF  }
0x7f: {  	[tilespmem:$0xC020] =	vst v3;
	v3 =	vmin.u32 v29, $0x3FFF  }
0x80: {  	s7 =	rddreg [dreg:$0x5];
	[tilespmem:$0xC030] =	vst v3  }
0x81: {  	[tilespmem:s31], [sflag:$0x2] =	stream.indirect.gather [spmem:s3], $0x1, s7, s28, $0xb8;
	[tilespmem:$0x1E080] =	vst v63  }
0x82: {  	_ = 	snop  }
0x83: {  	[tilespmem:s0], [sflag:$0x3] =	stream.indirect.gather [hbm4b:s1+s28], $0x40, s29, s28, $0xb8;
	[tilespmem:$0x1E080] =	vst v63  }
0x84: {  	_ =	swait.ge [sflag:s5], $0x1000  }
0x85: {  	[sflag:s5] =	ssyncset.done $0x0  }
0x86: {  	s10 =	rddreg [dreg:$0x7];
	[sflag:s5] =	ssyncadd.s32 $0xFFFFF000  }
0x87: {  	[hbm4b:s10+s4] =	stream.linear.scatter [tilespmem:s0], [sflag:$0x5], $0x1000, $0x38;
	[tilespmem:$0x1E080] =	vst v63  }
0x88: {  	_ =	swait.ge [sflag:s2], $0x40  }
0x89: {  	[sflag:s2] =	ssyncset.done $0x0  }
0x8a: {  	[sflag:s2] =	ssyncadd.s32 $0xFFFFFFC0  }
0x8b: {  	v3 =	vld [tilespmem:$0xC040]  }
0x8c: {  	v30 =	vld [tilespmem:$0xC050]  }
0x8d: {  	v31 =	vld [tilespmem:$0xC060]  }
0x8e: {  	v32 =	vld [tilespmem:$0xC070];
	_ =	sdelay $0x1  }
0x8f: {  	vm12 =	vgt.s32 v3, $0x0  }
0x90: {  	vm13 =	vgt.s32 v30, $0x0;
	v3 =	vnsel vm12, $0x0, v3  }
0x91: {  	vm14 =	vgt.s32 v31, $0x0;
	v4 =	vnsel vm13, $0x0, v30;
	v3 =	vmin.u32 v3, $0x3FFF  }
0x92: {  	vm15 =	vgt.s32 v32, $0x0;
	v33 =	vnsel vm14, $0x0, v31;
	[tilespmem:$0xC040] =	vst v3;
	v3 =	vmin.u32 v4, $0x3FFF  }
0x93: {  	v34 =	vnsel vm15, $0x0, v32;
	[tilespmem:$0xC050] =	vst v3;
	v3 =	vmin.u32 v33, $0x3FFF  }
0x94: {  	[tilespmem:$0xC060] =	vst v3;
	v3 =	vmin.u32 v34, $0x3FFF  }
0x95: {  	s17 =	rddreg [dreg:$0x8];
	[tilespmem:$0xC070] =	vst v3  }
0x96: {  	[tilespmem:s29], [sflag:$0x1] =	stream.indirect.gather [spmem:s3], $0x1, s17, s28, $0xb8;
	[tilespmem:$0x1E080] =	vst v63  }
0x97: {  	_ = 	snop  }
0x98: {  	[tilespmem:s8], [sflag:$0x4] =	stream.indirect.gather [hbm4b:s1+s28], $0x40, s31, s28, $0xb8;
	[tilespmem:$0x1E080] =	vst v63  }
0x99: {  	_ =	swait.ge [sflag:s9], $0x1000  }
0x9a: {  	[sflag:s9] =	ssyncset.done $0x0  }
0x9b: {  	s10 =	rddreg [dreg:$0x9];
	[sflag:s9] =	ssyncadd.s32 $0xFFFFF000  }
0x9c: {  	[hbm4b:s10+s4] =	stream.linear.scatter [tilespmem:s8], [sflag:$0x6], $0x1000, $0x38;
	[tilespmem:$0x1E080] =	vst v63  }
0x9d: {  	_ =	swait.ge [sflag:s30], $0x40  }
0x9e: {  	[sflag:s30] =	ssyncset.done $0x0  }
0x9f: {  	[sflag:s30] =	ssyncadd.s32 $0xFFFFFFC0  }
0xa0: {  	v3 =	vld [tilespmem:$0xC000]  }
0xa1: {  	v35 =	vld [tilespmem:$0xC010]  }
0xa2: {  	v36 =	vld [tilespmem:$0xC020]  }
0xa3: {  	v37 =	vld [tilespmem:$0xC030];
	_ =	sdelay $0x1  }
0xa4: {  	vm4 =	vgt.s32 v3, $0x0  }
0xa5: {  	vm5 =	vgt.s32 v35, $0x0;
	v3 =	vnsel vm4, $0x0, v3  }
0xa6: {  	vm6 =	vgt.s32 v36, $0x0;
	v4 =	vnsel vm5, $0x0, v35;
	v3 =	vmin.u32 v3, $0x3FFF  }
0xa7: {  	vm7 =	vgt.s32 v37, $0x0;
	v38 =	vnsel vm6, $0x0, v36;
	[tilespmem:$0xC000] =	vst v3;
	v3 =	vmin.u32 v4, $0x3FFF  }
0xa8: {  	v39 =	vnsel vm7, $0x0, v37;
	[tilespmem:$0xC010] =	vst v3;
	v3 =	vmin.u32 v38, $0x3FFF  }
0xa9: {  	[tilespmem:$0xC020] =	vst v3;
	v3 =	vmin.u32 v39, $0x3FFF  }
0xaa: {  	[tilespmem:$0xC030] =	vst v3  }
0xab: {  	[tilespmem:s31], [sflag:$0x2] =	stream.indirect.gather [spmem:s3], $0x1, s12, s28, $0xb8;
	[tilespmem:$0x1E080] =	vst v63  }
0xac: {  	_ =	swait.ge [sflag:s11], $0x1000  }
0xad: {  	[sflag:s11] =	ssyncset.done $0x0  }
0xae: {  	[sflag:s11] =	ssyncadd.s32 $0xFFFFF000  }
0xaf: {  	[tilespmem:s0], [sflag:$0x3] =	stream.indirect.gather [hbm4b:s1+s28], $0x40, s29, s28, $0xb8;
	[tilespmem:$0x1E080] =	vst v63  }
0xb0: {  	_ =	swait.ge [sflag:s5], $0x1000  }
0xb1: {  	[sflag:s5] =	ssyncset.done $0x0  }
0xb2: {  	s17 =	rddreg [dreg:$0xa];
	[sflag:s5] =	ssyncadd.s32 $0xFFFFF000  }
0xb3: {  	[hbm4b:s17+s4] =	stream.linear.scatter [tilespmem:s0], [sflag:$0x5], $0x1000, $0x38;
	[tilespmem:$0x1E080] =	vst v63  }
0xb4: {  	_ =	swait.ge [sflag:s2], $0x40  }
0xb5: {  	[sflag:s2] =	ssyncset.done $0x0  }
0xb6: {  	[sflag:s2] =	ssyncadd.s32 $0xFFFFFFC0  }
0xb7: {  	v3 =	vld [tilespmem:$0xC040]  }
0xb8: {  	v40 =	vld [tilespmem:$0xC050]  }
0xb9: {  	v41 =	vld [tilespmem:$0xC060]  }
0xba: {  	v42 =	vld [tilespmem:$0xC070];
	_ =	sdelay $0x1  }
0xbb: {  	vm8 =	vgt.s32 v3, $0x0  }
0xbc: {  	vm9 =	vgt.s32 v40, $0x0;
	v3 =	vnsel vm8, $0x0, v3  }
0xbd: {  	vm10 =	vgt.s32 v41, $0x0;
	v4 =	vnsel vm9, $0x0, v40;
	v3 =	vmin.u32 v3, $0x3FFF  }
0xbe: {  	vm11 =	vgt.s32 v42, $0x0;
	v43 =	vnsel vm10, $0x0, v41;
	[tilespmem:$0xC040] =	vst v3;
	v3 =	vmin.u32 v4, $0x3FFF  }
0xbf: {  	v44 =	vnsel vm11, $0x0, v42;
	[tilespmem:$0xC050] =	vst v3;
	v3 =	vmin.u32 v43, $0x3FFF  }
0xc0: {  	[tilespmem:$0xC060] =	vst v3;
	v3 =	vmin.u32 v44, $0x3FFF  }
0xc1: {  	[tilespmem:$0xC070] =	vst v3  }
0xc2: {  	[tilespmem:s29], [sflag:$0x1] =	stream.indirect.gather [spmem:s3], $0x1, s13, s28, $0xb8;
	[tilespmem:$0x1E080] =	vst v63  }
0xc3: {  	_ =	swait.ge [sflag:s14], $0x1000  }
0xc4: {  	[sflag:s14] =	ssyncset.done $0x0  }
0xc5: {  	[sflag:s14] =	ssyncadd.s32 $0xFFFFF000  }
0xc6: {  	[tilespmem:s8], [sflag:$0x4] =	stream.indirect.gather [hbm4b:s1+s28], $0x40, s31, s28, $0xb8;
	[tilespmem:$0x1E080] =	vst v63  }
0xc7: {  	_ =	swait.ge [sflag:s9], $0x1000  }
0xc8: {  	[sflag:s9] =	ssyncset.done $0x0  }
0xc9: {  	s10 =	rddreg [dreg:$0xb];
	[sflag:s9] =	ssyncadd.s32 $0xFFFFF000  }
0xca: {  	[hbm4b:s10+s4] =	stream.linear.scatter [tilespmem:s8], [sflag:$0x6], $0x1000, $0x38;
	[tilespmem:$0x1E080] =	vst v63  }
0xcb: {  	_ =	swait.ge [sflag:s30], $0x40  }
0xcc: {  	[sflag:s30] =	ssyncset.done $0x0  }
0xcd: {  	[sflag:s30] =	ssyncadd.s32 $0xFFFFFFC0  }
0xce: {  	v3 =	vld [tilespmem:$0xC000]  }
0xcf: {  	v45 =	vld [tilespmem:$0xC010]  }
0xd0: {  	v46 =	vld [tilespmem:$0xC020]  }
0xd1: {  	v47 =	vld [tilespmem:$0xC030];
	_ =	sdelay $0x1  }
0xd2: {  	vm12 =	vgt.s32 v3, $0x0  }
0xd3: {  	vm13 =	vgt.s32 v45, $0x0;
	v3 =	vnsel vm12, $0x0, v3  }
0xd4: {  	vm14 =	vgt.s32 v46, $0x0;
	v4 =	vnsel vm13, $0x0, v45;
	v3 =	vmin.u32 v3, $0x3FFF  }
0xd5: {  	vm15 =	vgt.s32 v47, $0x0;
	v48 =	vnsel vm14, $0x0, v46;
	[tilespmem:$0xC000] =	vst v3;
	v3 =	vmin.u32 v4, $0x3FFF  }
0xd6: {  	v49 =	vnsel vm15, $0x0, v47;
	[tilespmem:$0xC010] =	vst v3;
	v3 =	vmin.u32 v48, $0x3FFF  }
0xd7: {  	[tilespmem:$0xC020] =	vst v3;
	v3 =	vmin.u32 v49, $0x3FFF  }
0xd8: {  	[tilespmem:$0xC030] =	vst v3  }
0xd9: {  	[tilespmem:s31], [sflag:$0x2] =	stream.indirect.gather [spmem:s3], $0x1, s16, s28, $0xb8;
	[tilespmem:$0x1E080] =	vst v63  }
0xda: {  	_ =	swait.ge [sflag:s11], $0x1000  }
0xdb: {  	[sflag:s11] =	ssyncset.done $0x0  }
0xdc: {  	[sflag:s11] =	ssyncadd.s32 $0xFFFFF000  }
0xdd: {  	[tilespmem:s0], [sflag:$0x3] =	stream.indirect.gather [hbm4b:s1+s28], $0x40, s29, s28, $0xb8;
	[tilespmem:$0x1E080] =	vst v63  }
0xde: {  	_ =	swait.ge [sflag:s5], $0x1000  }
0xdf: {  	[sflag:s5] =	ssyncset.done $0x0  }
0xe0: {  	s17 =	rddreg [dreg:$0xc];
	[sflag:s5] =	ssyncadd.s32 $0xFFFFF000  }
0xe1: {  	[hbm4b:s17+s4] =	stream.linear.scatter [tilespmem:s0], [sflag:$0x5], $0x1000, $0x38;
	[tilespmem:$0x1E080] =	vst v63  }
0xe2: {  	_ =	swait.ge [sflag:s2], $0x40  }
0xe3: {  	[sflag:s2] =	ssyncset.done $0x0  }
0xe4: {  	[sflag:s2] =	ssyncadd.s32 $0xFFFFFFC0  }
0xe5: {  	v3 =	vld [tilespmem:$0xC040]  }
0xe6: {  	v50 =	vld [tilespmem:$0xC050]  }
0xe7: {  	v51 =	vld [tilespmem:$0xC060]  }
0xe8: {  	v52 =	vld [tilespmem:$0xC070];
	_ =	sdelay $0x1  }
0xe9: {  	vm4 =	vgt.s32 v3, $0x0  }
0xea: {  	vm5 =	vgt.s32 v50, $0x0;
	v3 =	vnsel vm4, $0x0, v3  }
0xeb: {  	vm6 =	vgt.s32 v51, $0x0;
	v4 =	vnsel vm5, $0x0, v50;
	v3 =	vmin.u32 v3, $0x3FFF  }
0xec: {  	vm7 =	vgt.s32 v52, $0x0;
	v53 =	vnsel vm6, $0x0, v51;
	[tilespmem:$0xC040] =	vst v3;
	v3 =	vmin.u32 v4, $0x3FFF  }
0xed: {  	v54 =	vnsel vm7, $0x0, v52;
	[tilespmem:$0xC050] =	vst v3;
	v3 =	vmin.u32 v53, $0x3FFF  }
0xee: {  	[tilespmem:$0xC060] =	vst v3;
	v3 =	vmin.u32 v54, $0x3FFF  }
0xef: {  	[tilespmem:$0xC070] =	vst v3  }
0xf0: {  	[tilespmem:s29], [sflag:$0x1] =	stream.indirect.gather [spmem:s3], $0x1, s18, s28, $0xb8;
	[tilespmem:$0x1E080] =	vst v63  }
0xf1: {  	_ =	swait.ge [sflag:s14], $0x1000  }
0xf2: {  	[sflag:s14] =	ssyncset.done $0x0  }
0xf3: {  	[sflag:s14] =	ssyncadd.s32 $0xFFFFF000  }
0xf4: {  	[tilespmem:s8], [sflag:$0x4] =	stream.indirect.gather [hbm4b:s1+s28], $0x40, s31, s28, $0xb8;
	[tilespmem:$0x1E080] =	vst v63  }
0xf5: {  	_ =	swait.ge [sflag:s9], $0x1000  }
0xf6: {  	[sflag:s9] =	ssyncset.done $0x0  }
0xf7: {  	[sflag:s9] =	ssyncadd.s32 $0xFFFFF000  }
0xf8: {  	[hbm4b:s20+s4] =	stream.linear.scatter [tilespmem:s8], [sflag:$0x6], $0x1000, $0x38;
	[tilespmem:$0x1E080] =	vst v63  }
0xf9: {  	_ =	swait.ge [sflag:s30], $0x40  }
0xfa: {  	[sflag:s30] =	ssyncset.done $0x0  }
0xfb: {  	[sflag:s30] =	ssyncadd.s32 $0xFFFFFFC0  }
0xfc: {  	v3 =	vld [tilespmem:$0xC000]  }
0xfd: {  	v55 =	vld [tilespmem:$0xC010]  }
0xfe: {  	v56 =	vld [tilespmem:$0xC020]  }
0xff: {  	v57 =	vld [tilespmem:$0xC030];
	_ =	sdelay $0x1  }
0x100: {  	vm8 =	vgt.s32 v3, $0x0  }
0x101: {  	vm9 =	vgt.s32 v55, $0x0;
	v3 =	vnsel vm8, $0x0, v3  }
0x102: {  	vm10 =	vgt.s32 v56, $0x0;
	v4 =	vnsel vm9, $0x0, v55;
	v3 =	vmin.u32 v3, $0x3FFF  }
0x103: {  	vm11 =	vgt.s32 v57, $0x0;
	v58 =	vnsel vm10, $0x0, v56;
	[tilespmem:$0xC000] =	vst v3;
	v3 =	vmin.u32 v4, $0x3FFF  }
0x104: {  	v59 =	vnsel vm11, $0x0, v57;
	[tilespmem:$0xC010] =	vst v3;
	v3 =	vmin.u32 v58, $0x3FFF  }
0x105: {  	[tilespmem:$0xC020] =	vst v3;
	v3 =	vmin.u32 v59, $0x3FFF  }
0x106: {  	[tilespmem:$0xC030] =	vst v3  }
0x107: {  	[tilespmem:s31], [sflag:$0x2] =	stream.indirect.gather [spmem:s3], $0x1, s19, s28, $0xb8;
	[tilespmem:$0x1E080] =	vst v63  }
0x108: {  	_ =	swait.ge [sflag:s11], $0x1000  }
0x109: {  	[sflag:s11] =	ssyncset.done $0x0  }
0x10a: {  	[sflag:s11] =	ssyncadd.s32 $0xFFFFF000  }
0x10b: {  	[tilespmem:s0], [sflag:$0x3] =	stream.indirect.gather [hbm4b:s1+s28], $0x40, s29, s28, $0xb8;
	[tilespmem:$0x1E080] =	vst v63  }
0x10c: {  	_ =	swait.ge [sflag:s5], $0x1000  }
0x10d: {  	[sflag:s5] =	ssyncset.done $0x0  }
0x10e: {  	[sflag:s5] =	ssyncadd.s32 $0xFFFFF000  }
0x10f: {  	[hbm4b:s21+s4] =	stream.linear.scatter [tilespmem:s0], [sflag:$0x5], $0x1000, $0x38;
	[tilespmem:$0x1E080] =	vst v63  }
0x110: {  	_ =	swait.ge [sflag:s2], $0x40  }
0x111: {  	[sflag:s2] =	ssyncset.done $0x0  }
0x112: {  	[sflag:s2] =	ssyncadd.s32 $0xFFFFFFC0  }
0x113: {  	v3 =	vld [tilespmem:$0xC040]  }
0x114: {  	v60 =	vld [tilespmem:$0xC050]  }
0x115: {  	v61 =	vld [tilespmem:$0xC060]  }
0x116: {  	v62 =	vld [tilespmem:$0xC070];
	_ =	sdelay $0x1  }
0x117: {  	vm12 =	vgt.s32 v3, $0x0  }
0x118: {  	vm13 =	vgt.s32 v60, $0x0;
	v3 =	vnsel vm12, $0x0, v3  }
0x119: {  	vm14 =	vgt.s32 v61, $0x0;
	v4 =	vnsel vm13, $0x0, v60;
	v3 =	vmin.u32 v3, $0x3FFF  }
0x11a: {  	vm15 =	vgt.s32 v62, $0x0;
	v63 =	vnsel vm14, $0x0, v61;
	[tilespmem:$0xC040] =	vst v3;
	v3 =	vmin.u32 v4, $0x3FFF  }
0x11b: {  	v4 =	vmin.u32 v63, $0x3FFF;
	[tilespmem:$0xC050] =	vst v3;
	v3 =	vnsel vm15, $0x0, v62  }
0x11c: {  	[tilespmem:$0xC060] =	vst v4;
	v3 =	vmin.u32 v3, $0x3FFF  }
0x11d: {  	[tilespmem:$0xC070] =	vst v3  }
0x11e: {  	_ =	swait.ge [sflag:s14], $0x1000  }
0x11f: {  	[sflag:s14] =	ssyncset.done $0x0  }
0x120: {  	[sflag:s14] =	ssyncadd.s32 $0xFFFFF000  }
0x121: {  	[tilespmem:s8], [sflag:$0x4] =	stream.indirect.gather [hbm4b:s1+s28], $0x40, s31, s28, $0xb8;
	[tilespmem:$0x1E080] =	vst v63  }
0x122: {  	_ =	swait.ge [sflag:s9], $0x1000  }
0x123: {  	[sflag:s9] =	ssyncset.done $0x0  }
0x124: {  	s15 =	sadd.s32 $0x1, s15;
	[sflag:s9] =	ssyncadd.s32 $0xFFFFF000  }
0x125: {  	[hbm4b:s22+s4] =	stream.linear.scatter [tilespmem:s8], [sflag:$0x6], $0x1000, $0x38;
	[tilespmem:$0x1E080] =	vst v63  }
0x126: {  	p0 =	sne.s32 s15, s23;
	_ =	swait.ge [sflag:s11], $0x1000  }
.Ltmp2:
0x127: {  	[sflag:s11] =	ssyncset.done $0x0;
	(pc) =	sbr.rel @p0 .LBB2_1-.Ltmp2, $4  }
0x128: {  	[sflag:s11] =	ssyncadd.s32 $0xFFFFF000  }
0x129: {  	_ =	swait.ge [sflag:s14], $0x1000  }
0x12a: {  	[sflag:s14] =	ssyncset.done $0x0  }
0x12b: {  	[sflag:s14] =	ssyncadd.s32 $0xFFFFF000  }
0x12c: {  	_ =	sfence.sel $0x180000  }
0x12d: {  	[bflag:$0x0] =	sbarrier.arrive $0xFFFF  }
0x12e: {  	_ =	strace $0x90000047  }
0x12f: {  	s0 =	stileid.u32;
	[bflag:$0x2] =	sbarrier.arrive $0xFFFF  }
0x130: {  	p0 =	sne.s32 s0, $0x0;
	s0 =	rddreg [dreg:$0x4]  }
0x131: {  	s0 =	sadd.s32 @!p0 $0x100000, s0  }
0x132: {  	[sflag:s0] =	ssyncadd.tile.s32 @!p0 $0x1;
	_ =	shalt  }
.Lfunc_end2:
_tile_overlayer_lowered:
.L_overlay_start_2:
0x133: {  	(tag) =	ssettag $0x2  }
0x134: {  	s0 =	rddreg [dreg:$0x0];
	s2 =	stileid.u32  }
0x135: {  	s1 =	rddreg [dreg:$0x1];
	p0 =	sne.s32 s2, $0x0  }
0x136: {  	s3 =	rddreg [dreg:$0x2];
	[bflag:$0x3] =	sbarrier.arrive $0xFFFF;
	s2 =	simm.s32 @!p0 $0x1C07  }
0x137: {  	[timem:s3], [sflag:s2] =	dma.local @!p0 [hbm:s0], s1  }
0x138: {  	s0 =	simm.s32 @!p0 $0x7  }
0x139: {  	_ =	swait.ge @!p0 [sflag:s0], s1  }
0x13a: {  	s1 =	ssub.s32 @!p0 $0x0, s1;
	[sflag:s0] =	ssyncset.done @!p0 $0x0  }
0x13b: {  	[sflag:s0] =	ssyncadd.s32 @!p0 s1  }
0x13c: {  	[bflag:$0x3] =	sbarrier.arrive $0xFFFF  }
0x13d: {  	_ =	shalt  }

</sc_bundles>
